<compile_context>
chip_gen: v7x
topology: tpu7x:2x2x1
jax: 0.10.2.dev20260603
libtpu: 0.0.44.dev20260713+nightly
codegen_flags: <defaults>
</compile_context>

<pallas_src>
import functools
import math

import jax
import jax.numpy as jnp
from jax import lax
from jax.experimental import pallas as pl
from jax.experimental.pallas import tpu as pltpu
from jax.experimental.pallas import tpu_sc as plsc

N = 10000
F = 128
N_PAD = 10240
BLK = 2048
NC, NS = 2, 16
NW = NC * NS
ROWS_PER_TILE = N_PAD // NS
E = 320000
CHUNK = 128
NUM_CHUNKS = 80
EDGES_PER_TILE = NUM_CHUNKS * CHUNK
E_PAD = NW * EDGES_PER_TILE
C_BN = 1.0 / math.sqrt(1.0 + 1e-5)



def _sc_body(compute_deg, p_hbm, src_hbm, dst_hbm, zero_hbm, *rest):
    if compute_deg:
        (zero1_hbm, acc_out, deg_out, src_v0, dst_v0, src_v1, dst_v1,
         rows0, rows1, ones_v, acc_sh, deg_sh, sem0, sem1) = rest
    else:
        (acc_out, src_v0, dst_v0, src_v1, dst_v1, rows0, rows1,
         acc_sh, sem0, sem1) = rest
    cid = lax.axis_index("c")
    sid = lax.axis_index("s")
    wid = sid * NC + cid
    r0 = sid * ROWS_PER_TILE

    pltpu.sync_copy(zero_hbm.at[pl.ds(r0, ROWS_PER_TILE)],
                    acc_sh.at[pl.ds(r0, ROWS_PER_TILE)])
    if compute_deg:
        @pl.loop(0, CHUNK // 16)
        def _fill_ones(i):
            ones_v[pl.ds(i * 16, 16)] = jnp.ones((16,), jnp.float32)
        pltpu.sync_copy(zero1_hbm.at[pl.ds(r0, ROWS_PER_TILE)],
                        deg_sh.at[pl.ds(r0, ROWS_PER_TILE)])
    plsc.subcore_barrier()

    ebase = wid * EDGES_PER_TILE

    def load_idx(c, sv, dv):
        off = ebase + c * CHUNK
        pltpu.sync_copy(src_hbm.at[pl.ds(off, CHUNK)], sv)
        pltpu.sync_copy(dst_hbm.at[pl.ds(off, CHUNK)], dv)

    load_idx(0, src_v0, dst_v0)
    pltpu.async_copy(p_hbm.at[src_v0], rows0, sem0)

    @pl.loop(0, NUM_CHUNKS // 2)
    def _chunk(j):
        c0 = 2 * j
        load_idx(c0 + 1, src_v1, dst_v1)
        pltpu.async_copy(p_hbm.at[src_v1], rows1, sem1)
        pltpu.make_async_copy(p_hbm.at[src_v0], rows0, sem0).wait()
        pltpu.sync_copy(rows0, acc_sh.at[dst_v0], add=True)
        if compute_deg:
            pltpu.sync_copy(ones_v, deg_sh.at[dst_v0], add=True)

        @pl.when(j < NUM_CHUNKS // 2 - 1)
        def _prefetch():
            load_idx(c0 + 2, src_v0, dst_v0)
            pltpu.async_copy(p_hbm.at[src_v0], rows0, sem0)

        pltpu.make_async_copy(p_hbm.at[src_v1], rows1, sem1).wait()
        pltpu.sync_copy(rows1, acc_sh.at[dst_v1], add=True)
        if compute_deg:
            pltpu.sync_copy(ones_v, deg_sh.at[dst_v1], add=True)

    plsc.subcore_barrier()
    pltpu.sync_copy(acc_sh.at[pl.ds(r0, ROWS_PER_TILE)],
                    acc_out.at[cid, pl.ds(r0, ROWS_PER_TILE)])
    if compute_deg:
        pltpu.sync_copy(deg_sh.at[pl.ds(r0, ROWS_PER_TILE)],
                        deg_out.at[cid, pl.ds(r0, ROWS_PER_TILE)])


def _make_sc_kernel(compute_deg):
    out_type = [jax.ShapeDtypeStruct((NC, N_PAD, F), jnp.float32)]
    scratch = [
        pltpu.VMEM((CHUNK,), jnp.int32),
        pltpu.VMEM((CHUNK,), jnp.int32),
        pltpu.VMEM((CHUNK,), jnp.int32),
        pltpu.VMEM((CHUNK,), jnp.int32),
        pltpu.VMEM((CHUNK, F), jnp.float32),
        pltpu.VMEM((CHUNK, F), jnp.float32),
    ]
    if compute_deg:
        out_type.append(jax.ShapeDtypeStruct((NC, N_PAD), jnp.float32))
        scratch.append(pltpu.VMEM((CHUNK,), jnp.float32))
    scratch.append(pltpu.VMEM_SHARED((N_PAD, F), jnp.float32))
    if compute_deg:
        scratch.append(pltpu.VMEM_SHARED((N_PAD,), jnp.float32))
    scratch.append(pltpu.SemaphoreType.DMA)
    scratch.append(pltpu.SemaphoreType.DMA)
    return pl.kernel(
        functools.partial(_sc_body, compute_deg),
        out_type=tuple(out_type),
        mesh=plsc.VectorSubcoreMesh(core_axis_name="c", subcore_axis_name="s"),
        scratch_types=tuple(scratch),
    )



def _mm_in_body(x_ref, w_ref, b_ref, p_ref, r_ref):
    o = lax.dot_general(x_ref[...], w_ref[...], (((1,), (1,)), ((), ())),
                        preferred_element_type=jnp.float32)
    p_ref[...] = o[:, :F]
    r_ref[...] = o[:, F:] + b_ref[...]


def _fuse_body(parts_ref, degp_ref, r_ref, g_ref, be_ref, w_ref, b_ref,
               p_ref, rout_ref):
    acc = parts_ref[0] + parts_ref[1]
    deg = jnp.maximum(jnp.sum(degp_ref[...], axis=0), 1.0)
    h = acc / deg[:, None] + r_ref[...]
    h = jnp.maximum(g_ref[...] * (h * C_BN) + be_ref[...], 0.0)
    o = lax.dot_general(h, w_ref[...], (((1,), (1,)), ((), ())),
                        preferred_element_type=jnp.float32)
    p_ref[...] = o[:, :F]
    rout_ref[...] = o[:, F:] + b_ref[...]


def _head_body(parts_ref, degp_ref, r_ref, g_ref, be_ref, w_ref, b_ref,
               out_ref):
    acc = parts_ref[0] + parts_ref[1]
    deg = jnp.maximum(jnp.sum(degp_ref[...], axis=0), 1.0)
    h = acc / deg[:, None] + r_ref[...]
    h = jnp.maximum(g_ref[...] * (h * C_BN) + be_ref[...], 0.0)
    out_ref[...] = lax.dot_general(h, w_ref[...], (((1,), (1,)), ((), ())),
                                   preferred_element_type=jnp.float32) + b_ref[...]


_GRID = N_PAD // BLK
_row = pl.BlockSpec((BLK, F), lambda i: (i, 0))
_full2 = lambda a, b: pl.BlockSpec((a, b), lambda i: (0, 0))
_parts_spec = pl.BlockSpec((NC, BLK, F), lambda i: (0, i, 0))
_degp_spec = pl.BlockSpec((NC, BLK), lambda i: (0, i))

_mm_in = pl.pallas_call(
    _mm_in_body,
    grid=(_GRID,),
    in_specs=[_row, _full2(2 * F, F), _full2(1, F)],
    out_specs=[_row, _row],
    out_shape=[jax.ShapeDtypeStruct((N_PAD, F), jnp.float32)] * 2,
)

_fuse = pl.pallas_call(
    _fuse_body,
    grid=(_GRID,),
    in_specs=[_parts_spec, _degp_spec, _row, _full2(1, F), _full2(1, F),
              _full2(2 * F, F), _full2(1, F)],
    out_specs=[_row, _row],
    out_shape=[jax.ShapeDtypeStruct((N_PAD, F), jnp.float32)] * 2,
)

_head = pl.pallas_call(
    _head_body,
    grid=(_GRID,),
    in_specs=[_parts_spec, _degp_spec, _row, _full2(1, F), _full2(1, F),
              _full2(F, F), _full2(1, F)],
    out_specs=_row,
    out_shape=jax.ShapeDtypeStruct((N_PAD, F), jnp.float32),
)


def kernel(x, ei, W1l, b1l, W1r, W2l, b2l, W2r, W3l, b3l, W3r,
           g1, be1, g2, be2, g3, be3, Wh, bh):
    x_pad = jnp.pad(x, ((0, N_PAD - N), (0, 0)))
    pad_i = jnp.arange(E_PAD - E, dtype=jnp.int32)
    src = jnp.concatenate([ei[0], pad_i * 13 % N])
    dst = jnp.concatenate([ei[1], N + pad_i % (N_PAD - N)])
    zeros = jnp.zeros((N_PAD, F), jnp.float32)
    zeros1 = jnp.zeros((N_PAD,), jnp.float32)

    row = lambda v: v.reshape(1, F)
    Wc1 = jnp.concatenate([W1l, W1r], axis=0)
    Wc2 = jnp.concatenate([W2l, W2r], axis=0)
    Wc3 = jnp.concatenate([W3l, W3r], axis=0)

    agg_deg = _make_sc_kernel(True)
    agg = _make_sc_kernel(False)

    p1, r1 = _mm_in(x_pad, Wc1, row(b1l))
    parts1, degp = agg_deg(p1, src, dst, zeros, zeros1)
    p2, r2 = _fuse(parts1, degp, r1, row(g1), row(be1), Wc2, row(b2l))
    (parts2,) = agg(p2, src, dst, zeros)
    p3, r3 = _fuse(parts2, degp, r2, row(g2), row(be2), Wc3, row(b3l))
    (parts3,) = agg(p3, src, dst, zeros)
    out = _head(parts3, degp, r3, row(g3), row(be3), Wh, row(bh))
    return out[:N]

# --- scband reference (transcript-rebuilt; emitter-appended) ---
"""Pipeline reference for scband-graph-sagemodel-29308856828498 (READ-ONLY COPY).

The authoritative reference and input builder live on the scoring server;
editing this copy changes nothing except your own understanding.
"""

import jax, jax.numpy as jnp
import numpy as np

N = 10000
E = 320000
IC = 128
H = 128
OC = 128
BN_EPS = 1e-5


def _lin(key, out_f, in_f):
    return jax.random.normal(key, (out_f, in_f), dtype=jnp.float32) * (1.0 / np.sqrt(in_f))


def setup_inputs(seed: int = 0) -> dict:
    key = jax.random.key(seed)
    ks = jax.random.split(key, 24)
    x = jax.random.normal(ks[0], (N, IC), dtype=jnp.float32)
    ei = jax.random.randint(ks[1], (2, E), 0, N, dtype=jnp.int32)
    inp = {"x": x, "ei": ei}
    # SAGEConv layers: lin_l (with bias) applied to aggregated neighbors, lin_r (no bias) to self
    inp["W1l"] = _lin(ks[2], H, IC); inp["b1l"] = jnp.zeros((H,), jnp.float32); inp["W1r"] = _lin(ks[3], H, IC)
    inp["W2l"] = _lin(ks[4], H, H);  inp["b2l"] = jnp.zeros((H,), jnp.float32); inp["W2r"] = _lin(ks[5], H, H)
    inp["W3l"] = _lin(ks[6], H, H);  inp["b3l"] = jnp.zeros((H,), jnp.float32); inp["W3r"] = _lin(ks[7], H, H)
    # BatchNorm affine params (eval mode: running_mean=0, running_var=1)
    inp["g1"] = jnp.ones((H,), jnp.float32); inp["be1"] = jnp.zeros((H,), jnp.float32)
    inp["g2"] = jnp.ones((H,), jnp.float32); inp["be2"] = jnp.zeros((H,), jnp.float32)
    inp["g3"] = jnp.ones((H,), jnp.float32); inp["be3"] = jnp.zeros((H,), jnp.float32)
    # head
    inp["Wh"] = _lin(ks[8], OC, H); inp["bh"] = jnp.zeros((OC,), jnp.float32)
    return inp


def _sage(x, src, dst, Wl, bl, Wr):
    msg = x[src]  # gather source node features [E, d]
    agg = jax.ops.segment_sum(msg, dst, num_segments=N)
    deg = jax.ops.segment_sum(jnp.ones((src.shape[0],), jnp.float32), dst, num_segments=N)
    mean = agg / jnp.clip(deg, 1.0)[:, None]
    return mean @ Wl.T + bl + x @ Wr.T


def _bn_eval(x, g, b):
    # running_mean=0, running_var=1 (fresh BatchNorm1d in eval mode)
    return g * (x / jnp.sqrt(1.0 + BN_EPS)) + b


def reference(x, ei, W1l, b1l, W1r, W2l, b2l, W2r, W3l, b3l, W3r, g1, be1, g2, be2, g3, be3, Wh, bh):
    src = ei[0]
    dst = ei[1]
    h = jax.nn.relu(_bn_eval(_sage(x, src, dst, W1l, b1l, W1r), g1, be1))
    # dropout p=0.2 is identity in eval mode
    h = jax.nn.relu(_bn_eval(_sage(h, src, dst, W2l, b2l, W2r), g2, be2))
    h = jax.nn.relu(_bn_eval(_sage(h, src, dst, W3l, b3l, W3r), g3, be3))
    return h @ Wh.T + bh

if __name__ == "__main__":
    import jax
    _d = setup_inputs()
    print(jax.jit(kernel)(*tuple(_d.values())))

</pallas_src>

<mosaic_0001>
#map = affine_map<(d0, d1) -> (0, 0)>
#map1 = affine_map<(d0, d1) -> (0)>
#map2 = affine_map<(d0, d1) -> (0, 0, 0)>
module attributes {stable_mosaic.version = 14 : i64} {
  func.func @_sc_body(%arg0: i32, %arg1: i32, %arg2: memref<10240x128xf32, #tpu.memory_space<hbm>>, %arg3: memref<327680xi32, #tpu.memory_space<hbm>>, %arg4: memref<327680xi32, #tpu.memory_space<hbm>>, %arg5: memref<10240x128xf32, #tpu.memory_space<hbm>>, %arg6: memref<10240xf32, #tpu.memory_space<hbm>>, %arg7: memref<2x10240x128xf32, #tpu.memory_space<hbm>>, %arg8: memref<2x10240xf32, #tpu.memory_space<hbm>>, %arg9: memref<128xi32, #tpu.memory_space<vmem>>, %arg10: memref<128xi32, #tpu.memory_space<vmem>>, %arg11: memref<128xi32, #tpu.memory_space<vmem>>, %arg12: memref<128xi32, #tpu.memory_space<vmem>>, %arg13: memref<128x128xf32, #tpu.memory_space<vmem>>, %arg14: memref<128x128xf32, #tpu.memory_space<vmem>>, %arg15: memref<128xf32, #tpu.memory_space<vmem>>, %arg16: memref<10240x128xf32, #tpu.memory_space<vmem_shared>>, %arg17: memref<10240xf32, #tpu.memory_space<vmem_shared>>, %arg18: memref<!tpu.dma_semaphore, #tpu.memory_space<semaphore_mem>>, %arg19: memref<!tpu.dma_semaphore, #tpu.memory_space<semaphore_mem>>) attributes {dimension_semantics = [#tpu.dimension_semantics<core_parallel>, #tpu.dimension_semantics<subcore_parallel>], iteration_bounds = array<i64: 2, 16>, scalar_prefetch = 0 : i64, scratch_operands = 11 : i64, tpu.core_type = #tpu.core_type<sc_vector_subcore>, window_params = [{transform_indices = #map}, {transform_indices = #map1}, {transform_indices = #map1}, {transform_indices = #map}, {transform_indices = #map1}, {transform_indices = #map2}, {transform_indices = #map}]} {
    %mul3A = arith.constant 2 : i32
    %mul3A_0 = arith.muli %arg1, %mul3A : i32
    %add3A = arith.addi %mul3A_0, %arg0 : i32
    %mul3A_1 = arith.constant 640 : i32
    %mul3A_2 = arith.muli %arg1, %mul3A_1 : i32
    "tpu.region"() ({
      %run_scoped3A = tpu.sem_alloc : memref<!tpu.dma_semaphore, #tpu.memory_space<semaphore_mem>>
      %dma_start3A_19 = arith.constant 0 : i32
      %dma_start3A_20 = tpu.memref_slice %arg16[%mul3A_2, %dma_start3A_19] : memref<10240x128xf32, #tpu.memory_space<vmem_shared>> -> memref<640x128xf32, #tpu.memory_space<vmem_shared>>
      %dma_start3A_21 = arith.constant 0 : i32
      %dma_start3A_22 = tpu.memref_slice %arg5[%mul3A_2, %dma_start3A_21] : memref<10240x128xf32, #tpu.memory_space<hbm>> -> memref<640x128xf32, #tpu.memory_space<hbm>>
      tpu.enqueue_dma source(%dma_start3A_22 : memref<640x128xf32, #tpu.memory_space<hbm>>) target(%dma_start3A_20 : memref<640x128xf32, #tpu.memory_space<vmem_shared>>) target_semaphore(%run_scoped3A : memref<!tpu.dma_semaphore, #tpu.memory_space<semaphore_mem>>)
      %dma_wait3A = arith.constant 0 : i32
      %dma_wait3A_23 = tpu.memref_slice %arg16[%mul3A_2, %dma_wait3A] : memref<10240x128xf32, #tpu.memory_space<vmem_shared>> -> memref<640x128xf32, #tpu.memory_space<vmem_shared>>
      %dma_wait3A_24 = arith.constant 0 : i32
      %dma_wait3A_25 = tpu.memref_slice %arg5[%mul3A_2, %dma_wait3A_24] : memref<10240x128xf32, #tpu.memory_space<hbm>> -> memref<640x128xf32, #tpu.memory_space<hbm>>
      tpu.wait_dma2 semaphore(%run_scoped3A : memref<!tpu.dma_semaphore, #tpu.memory_space<semaphore_mem>>) src(%dma_wait3A_25 : memref<640x128xf32, #tpu.memory_space<hbm>>) dst(%dma_wait3A_23 : memref<640x128xf32, #tpu.memory_space<vmem_shared>>)
      tpu.yield
    }) : () -> ()
    %scan3A = arith.constant 0 : i32
    %scan3A_3 = arith.constant 8 : i32
    %scan3A_4 = arith.addi %scan3A, %scan3A_3 : i32
    %scan3A_5 = arith.constant 1 : i32
    scf.for %scan3A_19 = %scan3A to %scan3A_4 step %scan3A_5  : i32 {
      %mul3A_20 = arith.constant 1 : i32
      %mul3A_21 = arith.muli %scan3A_19, %mul3A_20 : i32
      %add3A_22 = arith.constant 0 : i32
      %add3A_23 = arith.addi %add3A_22, %mul3A_21 : i32
      %broadcast_in_dim3A = arith.constant 1.000000e+00 : f32
      %broadcast_in_dim3A_24 = vector.broadcast %broadcast_in_dim3A : f32 to vector<16xf32>
      %mul3A_25 = arith.constant 16 : i32
      %mul3A_26 = arith.muli %add3A_23, %mul3A_25 : i32
      %swap3A = arith.index_cast %mul3A_26 : i32 to index
      %swap3A_27 = tpu.vector_load %arg15[%swap3A] {strides = array<i32>} : memref<128xf32, #tpu.memory_space<vmem>>, vector<16xf32>,
      %swap3A_28 = vector.shape_cast %swap3A_27 : vector<16xf32> to vector<16xf32>
      %swap3A_29 = vector.shape_cast %broadcast_in_dim3A_24 : vector<16xf32> to vector<16xf32>
      tpu.vector_store %arg15[%swap3A], %swap3A_29 {strides = array<i32>} : memref<128xf32, #tpu.memory_space<vmem>>, vector<16xf32>,
    }
    %scan3A_6 = arith.constant 8 : i32
    "tpu.region"() ({
      %run_scoped3A = tpu.sem_alloc : memref<!tpu.dma_semaphore, #tpu.memory_space<semaphore_mem>>
      %dma_start3A_19 = tpu.memref_slice %arg17[%mul3A_2] : memref<10240xf32, #tpu.memory_space<vmem_shared>> -> memref<640xf32, #tpu.memory_space<vmem_shared>>
      %dma_start3A_20 = tpu.memref_slice %arg6[%mul3A_2] : memref<10240xf32, #tpu.memory_space<hbm>> -> memref<640xf32, #tpu.memory_space<hbm>>
      tpu.enqueue_dma source(%dma_start3A_20 : memref<640xf32, #tpu.memory_space<hbm>>) target(%dma_start3A_19 : memref<640xf32, #tpu.memory_space<vmem_shared>>) target_semaphore(%run_scoped3A : memref<!tpu.dma_semaphore, #tpu.memory_space<semaphore_mem>>)
      %dma_wait3A = tpu.memref_slice %arg17[%mul3A_2] : memref<10240xf32, #tpu.memory_space<vmem_shared>> -> memref<640xf32, #tpu.memory_space<vmem_shared>>
      %dma_wait3A_21 = tpu.memref_slice %arg6[%mul3A_2] : memref<10240xf32, #tpu.memory_space<hbm>> -> memref<640xf32, #tpu.memory_space<hbm>>
      tpu.wait_dma2 semaphore(%run_scoped3A : memref<!tpu.dma_semaphore, #tpu.memory_space<semaphore_mem>>) src(%dma_wait3A_21 : memref<640xf32, #tpu.memory_space<hbm>>) dst(%dma_wait3A : memref<640xf32, #tpu.memory_space<vmem_shared>>)
      tpu.yield
    }) : () -> ()
    %barrier3A = arith.constant 0 : index
    tpu.barrier barrier_id(%barrier3A)
    %mul3A_7 = arith.constant 10240 : i32
    %mul3A_8 = arith.muli %add3A, %mul3A_7 : i32
    %add3A_9 = arith.constant 0 : i32
    %add3A_10 = arith.addi %mul3A_8, %add3A_9 : i32
    "tpu.region"() ({
      %run_scoped3A = tpu.sem_alloc : memref<!tpu.dma_semaphore, #tpu.memory_space<semaphore_mem>>
      %dma_start3A_19 = tpu.memref_slice %arg3[%add3A_10] : memref<327680xi32, #tpu.memory_space<hbm>> -> memref<128xi32, #tpu.memory_space<hbm>>
      %dma_start3A_20 = tpu.memref_slice %arg3[%add3A_10] : memref<327680xi32, #tpu.memory_space<hbm>> -> memref<128xi32, #tpu.memory_space<hbm>>
      tpu.enqueue_dma source(%dma_start3A_20 : memref<128xi32, #tpu.memory_space<hbm>>) target(%arg9 : memref<128xi32, #tpu.memory_space<vmem>>) target_semaphore(%run_scoped3A : memref<!tpu.dma_semaphore, #tpu.memory_space<semaphore_mem>>)
      %dma_wait3A = tpu.memref_slice %arg3[%add3A_10] : memref<327680xi32, #tpu.memory_space<hbm>> -> memref<128xi32, #tpu.memory_space<hbm>>
      %dma_wait3A_21 = tpu.memref_slice %arg3[%add3A_10] : memref<327680xi32, #tpu.memory_space<hbm>> -> memref<128xi32, #tpu.memory_space<hbm>>
      tpu.wait_dma2 semaphore(%run_scoped3A : memref<!tpu.dma_semaphore, #tpu.memory_space<semaphore_mem>>) src(%dma_wait3A_21 : memref<128xi32, #tpu.memory_space<hbm>>) dst(%arg9 : memref<128xi32, #tpu.memory_space<vmem>>)
      tpu.yield
    }) : () -> ()
    "tpu.region"() ({
      %run_scoped3A = tpu.sem_alloc : memref<!tpu.dma_semaphore, #tpu.memory_space<semaphore_mem>>
      %dma_start3A_19 = tpu.memref_slice %arg4[%add3A_10] : memref<327680xi32, #tpu.memory_space<hbm>> -> memref<128xi32, #tpu.memory_space<hbm>>
      %dma_start3A_20 = tpu.memref_slice %arg4[%add3A_10] : memref<327680xi32, #tpu.memory_space<hbm>> -> memref<128xi32, #tpu.memory_space<hbm>>
      tpu.enqueue_dma source(%dma_start3A_20 : memref<128xi32, #tpu.memory_space<hbm>>) target(%arg10 : memref<128xi32, #tpu.memory_space<vmem>>) target_semaphore(%run_scoped3A : memref<!tpu.dma_semaphore, #tpu.memory_space<semaphore_mem>>)
      %dma_wait3A = tpu.memref_slice %arg4[%add3A_10] : memref<327680xi32, #tpu.memory_space<hbm>> -> memref<128xi32, #tpu.memory_space<hbm>>
      %dma_wait3A_21 = tpu.memref_slice %arg4[%add3A_10] : memref<327680xi32, #tpu.memory_space<hbm>> -> memref<128xi32, #tpu.memory_space<hbm>>
      tpu.wait_dma2 semaphore(%run_scoped3A : memref<!tpu.dma_semaphore, #tpu.memory_space<semaphore_mem>>) src(%dma_wait3A_21 : memref<128xi32, #tpu.memory_space<hbm>>) dst(%arg10 : memref<128xi32, #tpu.memory_space<vmem>>)
      tpu.yield
    }) : () -> ()
    %dma_start3A = arith.constant 0 : i32
    %dma_start3A_11 = arith.constant 0 : i32
    %dma_start3A_12 = tpu.memref_slice %arg2[%dma_start3A, %dma_start3A_11] : memref<10240x128xf32, #tpu.memory_space<hbm>> -> memref<10240x128xf32, #tpu.memory_space<hbm>>
    tpu.enqueue_indirect_dma source(%dma_start3A_12 : memref<10240x128xf32, #tpu.memory_space<hbm>>) target(%arg13 : memref<128x128xf32, #tpu.memory_space<vmem>>) offsets(%arg9 : memref<128xi32, #tpu.memory_space<vmem>>) semaphore(%arg18 : memref<!tpu.dma_semaphore, #tpu.memory_space<semaphore_mem>>)
    %scan3A_13 = arith.constant 0 : i32
    %scan3A_14 = arith.constant 40 : i32
    %scan3A_15 = arith.addi %scan3A_13, %scan3A_14 : i32
    %scan3A_16 = arith.constant 1 : i32
    scf.for %scan3A_19 = %scan3A_13 to %scan3A_15 step %scan3A_16  : i32 {
      %mul3A_20 = arith.constant 1 : i32
      %mul3A_21 = arith.muli %scan3A_19, %mul3A_20 : i32
      %add3A_22 = arith.constant 0 : i32
      %add3A_23 = arith.addi %add3A_22, %mul3A_21 : i32
      %mul3A_24 = arith.constant 2 : i32
      %mul3A_25 = arith.muli %mul3A_24, %add3A_23 : i32
      %add3A_26 = arith.constant 1 : i32
      %add3A_27 = arith.addi %mul3A_25, %add3A_26 : i32
      %mul3A_28 = arith.constant 128 : i32
      %mul3A_29 = arith.muli %add3A_27, %mul3A_28 : i32
      %add3A_30 = arith.addi %mul3A_8, %mul3A_29 : i32
      "tpu.region"() ({
        %run_scoped3A = tpu.sem_alloc : memref<!tpu.dma_semaphore, #tpu.memory_space<semaphore_mem>>
        %dma_start3A_41 = tpu.memref_slice %arg3[%add3A_30] : memref<327680xi32, #tpu.memory_space<hbm>> -> memref<128xi32, #tpu.memory_space<hbm>>
        %dma_start3A_42 = tpu.memref_slice %arg3[%add3A_30] : memref<327680xi32, #tpu.memory_space<hbm>> -> memref<128xi32, #tpu.memory_space<hbm>>
        tpu.enqueue_dma source(%dma_start3A_42 : memref<128xi32, #tpu.memory_space<hbm>>) target(%arg11 : memref<128xi32, #tpu.memory_space<vmem>>) target_semaphore(%run_scoped3A : memref<!tpu.dma_semaphore, #tpu.memory_space<semaphore_mem>>)
        %dma_wait3A_43 = tpu.memref_slice %arg3[%add3A_30] : memref<327680xi32, #tpu.memory_space<hbm>> -> memref<128xi32, #tpu.memory_space<hbm>>
        %dma_wait3A_44 = tpu.memref_slice %arg3[%add3A_30] : memref<327680xi32, #tpu.memory_space<hbm>> -> memref<128xi32, #tpu.memory_space<hbm>>
        tpu.wait_dma2 semaphore(%run_scoped3A : memref<!tpu.dma_semaphore, #tpu.memory_space<semaphore_mem>>) src(%dma_wait3A_44 : memref<128xi32, #tpu.memory_space<hbm>>) dst(%arg11 : memref<128xi32, #tpu.memory_space<vmem>>)
        tpu.yield
      }) : () -> ()
      "tpu.region"() ({
        %run_scoped3A = tpu.sem_alloc : memref<!tpu.dma_semaphore, #tpu.memory_space<semaphore_mem>>
        %dma_start3A_41 = tpu.memref_slice %arg4[%add3A_30] : memref<327680xi32, #tpu.memory_space<hbm>> -> memref<128xi32, #tpu.memory_space<hbm>>
        %dma_start3A_42 = tpu.memref_slice %arg4[%add3A_30] : memref<327680xi32, #tpu.memory_space<hbm>> -> memref<128xi32, #tpu.memory_space<hbm>>
        tpu.enqueue_dma source(%dma_start3A_42 : memref<128xi32, #tpu.memory_space<hbm>>) target(%arg12 : memref<128xi32, #tpu.memory_space<vmem>>) target_semaphore(%run_scoped3A : memref<!tpu.dma_semaphore, #tpu.memory_space<semaphore_mem>>)
        %dma_wait3A_43 = tpu.memref_slice %arg4[%add3A_30] : memref<327680xi32, #tpu.memory_space<hbm>> -> memref<128xi32, #tpu.memory_space<hbm>>
        %dma_wait3A_44 = tpu.memref_slice %arg4[%add3A_30] : memref<327680xi32, #tpu.memory_space<hbm>> -> memref<128xi32, #tpu.memory_space<hbm>>
        tpu.wait_dma2 semaphore(%run_scoped3A : memref<!tpu.dma_semaphore, #tpu.memory_space<semaphore_mem>>) src(%dma_wait3A_44 : memref<128xi32, #tpu.memory_space<hbm>>) dst(%arg12 : memref<128xi32, #tpu.memory_space<vmem>>)
        tpu.yield
      }) : () -> ()
      %dma_start3A_31 = arith.constant 0 : i32
      %dma_start3A_32 = arith.constant 0 : i32
      %dma_start3A_33 = tpu.memref_slice %arg2[%dma_start3A_31, %dma_start3A_32] : memref<10240x128xf32, #tpu.memory_space<hbm>> -> memref<10240x128xf32, #tpu.memory_space<hbm>>
      tpu.enqueue_indirect_dma source(%dma_start3A_33 : memref<10240x128xf32, #tpu.memory_space<hbm>>) target(%arg14 : memref<128x128xf32, #tpu.memory_space<vmem>>) offsets(%arg11 : memref<128xi32, #tpu.memory_space<vmem>>) semaphore(%arg19 : memref<!tpu.dma_semaphore, #tpu.memory_space<semaphore_mem>>)
      %dma_wait3A = arith.constant 0 : i32
      %dma_wait3A_34 = arith.constant 0 : i32
      %dma_wait3A_35 = tpu.memref_slice %arg2[%dma_wait3A, %dma_wait3A_34] : memref<10240x128xf32, #tpu.memory_space<hbm>> -> memref<10240x128xf32, #tpu.memory_space<hbm>>
      tpu.wait_indirect_dma semaphore(%arg18 : memref<!tpu.dma_semaphore, #tpu.memory_space<semaphore_mem>>) src(%dma_wait3A_35 : memref<10240x128xf32, #tpu.memory_space<hbm>>) dst(%arg13 : memref<128x128xf32, #tpu.memory_space<vmem>>)
      "tpu.region"() ({
        %run_scoped3A = tpu.sem_alloc : memref<!tpu.dma_semaphore, #tpu.memory_space<semaphore_mem>>
        %dma_start3A_41 = arith.constant 0 : i32
        %dma_start3A_42 = arith.constant 0 : i32
        %dma_start3A_43 = tpu.memref_slice %arg16[%dma_start3A_41, %dma_start3A_42] : memref<10240x128xf32, #tpu.memory_space<vmem_shared>> -> memref<10240x128xf32, #tpu.memory_space<vmem_shared>>
        tpu.enqueue_indirect_dma source(%arg13 : memref<128x128xf32, #tpu.memory_space<vmem>>) target(%dma_start3A_43 : memref<10240x128xf32, #tpu.memory_space<vmem_shared>>) offsets(%arg10 : memref<128xi32, #tpu.memory_space<vmem>>) semaphore(%run_scoped3A : memref<!tpu.dma_semaphore, #tpu.memory_space<semaphore_mem>>) {add = true}
        %dma_wait3A_44 = arith.constant 0 : i32
        %dma_wait3A_45 = arith.constant 0 : i32
        %dma_wait3A_46 = tpu.memref_slice %arg16[%dma_wait3A_44, %dma_wait3A_45] : memref<10240x128xf32, #tpu.memory_space<vmem_shared>> -> memref<10240x128xf32, #tpu.memory_space<vmem_shared>>
        tpu.wait_indirect_dma semaphore(%run_scoped3A : memref<!tpu.dma_semaphore, #tpu.memory_space<semaphore_mem>>) src(%arg13 : memref<128x128xf32, #tpu.memory_space<vmem>>) dst(%dma_wait3A_46 : memref<10240x128xf32, #tpu.memory_space<vmem_shared>>)
        tpu.yield
      }) : () -> ()
      "tpu.region"() ({
        %run_scoped3A = tpu.sem_alloc : memref<!tpu.dma_semaphore, #tpu.memory_space<semaphore_mem>>
        %dma_start3A_41 = arith.constant 0 : i32
        %dma_start3A_42 = tpu.memref_slice %arg17[%dma_start3A_41] : memref<10240xf32, #tpu.memory_space<vmem_shared>> -> memref<10240xf32, #tpu.memory_space<vmem_shared>>
        tpu.enqueue_indirect_dma source(%arg15 : memref<128xf32, #tpu.memory_space<vmem>>) target(%dma_start3A_42 : memref<10240xf32, #tpu.memory_space<vmem_shared>>) offsets(%arg10 : memref<128xi32, #tpu.memory_space<vmem>>) semaphore(%run_scoped3A : memref<!tpu.dma_semaphore, #tpu.memory_space<semaphore_mem>>) {add = true}
        %dma_wait3A_43 = arith.constant 0 : i32
        %dma_wait3A_44 = tpu.memref_slice %arg17[%dma_wait3A_43] : memref<10240xf32, #tpu.memory_space<vmem_shared>> -> memref<10240xf32, #tpu.memory_space<vmem_shared>>
        tpu.wait_indirect_dma semaphore(%run_scoped3A : memref<!tpu.dma_semaphore, #tpu.memory_space<semaphore_mem>>) src(%arg15 : memref<128xf32, #tpu.memory_space<vmem>>) dst(%dma_wait3A_44 : memref<10240xf32, #tpu.memory_space<vmem_shared>>)
        tpu.yield
      }) : () -> ()
      %lt3A = arith.constant 39 : i32
      %lt3A_36 = arith.cmpi slt, %add3A_23, %lt3A : i32
      %convert_element_type3A = arith.extui %lt3A_36 : i1 to i32
      %cond3A = arith.constant 0 : i32
      %cond3A_37 = arith.cmpi ne, %convert_element_type3A, %cond3A : i32
      scf.if %cond3A_37 {
        %add3A_41 = arith.constant 2 : i32
        %add3A_42 = arith.addi %mul3A_25, %add3A_41 : i32
        %mul3A_43 = arith.constant 128 : i32
        %mul3A_44 = arith.muli %add3A_42, %mul3A_43 : i32
        %add3A_45 = arith.addi %mul3A_8, %mul3A_44 : i32
        "tpu.region"() ({
          %run_scoped3A = tpu.sem_alloc : memref<!tpu.dma_semaphore, #tpu.memory_space<semaphore_mem>>
          %dma_start3A_49 = tpu.memref_slice %arg3[%add3A_45] : memref<327680xi32, #tpu.memory_space<hbm>> -> memref<128xi32, #tpu.memory_space<hbm>>
          %dma_start3A_50 = tpu.memref_slice %arg3[%add3A_45] : memref<327680xi32, #tpu.memory_space<hbm>> -> memref<128xi32, #tpu.memory_space<hbm>>
          tpu.enqueue_dma source(%dma_start3A_50 : memref<128xi32, #tpu.memory_space<hbm>>) target(%arg9 : memref<128xi32, #tpu.memory_space<vmem>>) target_semaphore(%run_scoped3A : memref<!tpu.dma_semaphore, #tpu.memory_space<semaphore_mem>>)
          %dma_wait3A_51 = tpu.memref_slice %arg3[%add3A_45] : memref<327680xi32, #tpu.memory_space<hbm>> -> memref<128xi32, #tpu.memory_space<hbm>>
          %dma_wait3A_52 = tpu.memref_slice %arg3[%add3A_45] : memref<327680xi32, #tpu.memory_space<hbm>> -> memref<128xi32, #tpu.memory_space<hbm>>
          tpu.wait_dma2 semaphore(%run_scoped3A : memref<!tpu.dma_semaphore, #tpu.memory_space<semaphore_mem>>) src(%dma_wait3A_52 : memref<128xi32, #tpu.memory_space<hbm>>) dst(%arg9 : memref<128xi32, #tpu.memory_space<vmem>>)
          tpu.yield
        }) : () -> ()
        "tpu.region"() ({
          %run_scoped3A = tpu.sem_alloc : memref<!tpu.dma_semaphore, #tpu.memory_space<semaphore_mem>>
          %dma_start3A_49 = tpu.memref_slice %arg4[%add3A_45] : memref<327680xi32, #tpu.memory_space<hbm>> -> memref<128xi32, #tpu.memory_space<hbm>>
          %dma_start3A_50 = tpu.memref_slice %arg4[%add3A_45] : memref<327680xi32, #tpu.memory_space<hbm>> -> memref<128xi32, #tpu.memory_space<hbm>>
          tpu.enqueue_dma source(%dma_start3A_50 : memref<128xi32, #tpu.memory_space<hbm>>) target(%arg10 : memref<128xi32, #tpu.memory_space<vmem>>) target_semaphore(%run_scoped3A : memref<!tpu.dma_semaphore, #tpu.memory_space<semaphore_mem>>)
          %dma_wait3A_51 = tpu.memref_slice %arg4[%add3A_45] : memref<327680xi32, #tpu.memory_space<hbm>> -> memref<128xi32, #tpu.memory_space<hbm>>
          %dma_wait3A_52 = tpu.memref_slice %arg4[%add3A_45] : memref<327680xi32, #tpu.memory_space<hbm>> -> memref<128xi32, #tpu.memory_space<hbm>>
          tpu.wait_dma2 semaphore(%run_scoped3A : memref<!tpu.dma_semaphore, #tpu.memory_space<semaphore_mem>>) src(%dma_wait3A_52 : memref<128xi32, #tpu.memory_space<hbm>>) dst(%arg10 : memref<128xi32, #tpu.memory_space<vmem>>)
          tpu.yield
        }) : () -> ()
        %dma_start3A_46 = arith.constant 0 : i32
        %dma_start3A_47 = arith.constant 0 : i32
        %dma_start3A_48 = tpu.memref_slice %arg2[%dma_start3A_46, %dma_start3A_47] : memref<10240x128xf32, #tpu.memory_space<hbm>> -> memref<10240x128xf32, #tpu.memory_space<hbm>>
        tpu.enqueue_indirect_dma source(%dma_start3A_48 : memref<10240x128xf32, #tpu.memory_space<hbm>>) target(%arg13 : memref<128x128xf32, #tpu.memory_space<vmem>>) offsets(%arg9 : memref<128xi32, #tpu.memory_space<vmem>>) semaphore(%arg18 : memref<!tpu.dma_semaphore, #tpu.memory_space<semaphore_mem>>)
      } else {
      }
      %dma_wait3A_38 = arith.constant 0 : i32
      %dma_wait3A_39 = arith.constant 0 : i32
      %dma_wait3A_40 = tpu.memref_slice %arg2[%dma_wait3A_38, %dma_wait3A_39] : memref<10240x128xf32, #tpu.memory_space<hbm>> -> memref<10240x128xf32, #tpu.memory_space<hbm>>
      tpu.wait_indirect_dma semaphore(%arg19 : memref<!tpu.dma_semaphore, #tpu.memory_space<semaphore_mem>>) src(%dma_wait3A_40 : memref<10240x128xf32, #tpu.memory_space<hbm>>) dst(%arg14 : memref<128x128xf32, #tpu.memory_space<vmem>>)
      "tpu.region"() ({
        %run_scoped3A = tpu.sem_alloc : memref<!tpu.dma_semaphore, #tpu.memory_space<semaphore_mem>>
        %dma_start3A_41 = arith.constant 0 : i32
        %dma_start3A_42 = arith.constant 0 : i32
        %dma_start3A_43 = tpu.memref_slice %arg16[%dma_start3A_41, %dma_start3A_42] : memref<10240x128xf32, #tpu.memory_space<vmem_shared>> -> memref<10240x128xf32, #tpu.memory_space<vmem_shared>>
        tpu.enqueue_indirect_dma source(%arg14 : memref<128x128xf32, #tpu.memory_space<vmem>>) target(%dma_start3A_43 : memref<10240x128xf32, #tpu.memory_space<vmem_shared>>) offsets(%arg12 : memref<128xi32, #tpu.memory_space<vmem>>) semaphore(%run_scoped3A : memref<!tpu.dma_semaphore, #tpu.memory_space<semaphore_mem>>) {add = true}
        %dma_wait3A_44 = arith.constant 0 : i32
        %dma_wait3A_45 = arith.constant 0 : i32
        %dma_wait3A_46 = tpu.memref_slice %arg16[%dma_wait3A_44, %dma_wait3A_45] : memref<10240x128xf32, #tpu.memory_space<vmem_shared>> -> memref<10240x128xf32, #tpu.memory_space<vmem_shared>>
        tpu.wait_indirect_dma semaphore(%run_scoped3A : memref<!tpu.dma_semaphore, #tpu.memory_space<semaphore_mem>>) src(%arg14 : memref<128x128xf32, #tpu.memory_space<vmem>>) dst(%dma_wait3A_46 : memref<10240x128xf32, #tpu.memory_space<vmem_shared>>)
        tpu.yield
      }) : () -> ()
      "tpu.region"() ({
        %run_scoped3A = tpu.sem_alloc : memref<!tpu.dma_semaphore, #tpu.memory_space<semaphore_mem>>
        %dma_start3A_41 = arith.constant 0 : i32
        %dma_start3A_42 = tpu.memref_slice %arg17[%dma_start3A_41] : memref<10240xf32, #tpu.memory_space<vmem_shared>> -> memref<10240xf32, #tpu.memory_space<vmem_shared>>
        tpu.enqueue_indirect_dma source(%arg15 : memref<128xf32, #tpu.memory_space<vmem>>) target(%dma_start3A_42 : memref<10240xf32, #tpu.memory_space<vmem_shared>>) offsets(%arg12 : memref<128xi32, #tpu.memory_space<vmem>>) semaphore(%run_scoped3A : memref<!tpu.dma_semaphore, #tpu.memory_space<semaphore_mem>>) {add = true}
        %dma_wait3A_43 = arith.constant 0 : i32
        %dma_wait3A_44 = tpu.memref_slice %arg17[%dma_wait3A_43] : memref<10240xf32, #tpu.memory_space<vmem_shared>> -> memref<10240xf32, #tpu.memory_space<vmem_shared>>
        tpu.wait_indirect_dma semaphore(%run_scoped3A : memref<!tpu.dma_semaphore, #tpu.memory_space<semaphore_mem>>) src(%arg15 : memref<128xf32, #tpu.memory_space<vmem>>) dst(%dma_wait3A_44 : memref<10240xf32, #tpu.memory_space<vmem_shared>>)
        tpu.yield
      }) : () -> ()
    }
    %scan3A_17 = arith.constant 40 : i32
    %barrier3A_18 = arith.constant 0 : index
    tpu.barrier barrier_id(%barrier3A_18)
    "tpu.region"() ({
      %run_scoped3A = tpu.sem_alloc : memref<!tpu.dma_semaphore, #tpu.memory_space<semaphore_mem>>
      %dma_start3A_19 = arith.constant 0 : i32
      %dma_start3A_20 = tpu.memref_slice %arg7[%arg0, %mul3A_2, %dma_start3A_19] : memref<2x10240x128xf32, #tpu.memory_space<hbm>> -> memref<1x640x128xf32, #tpu.memory_space<hbm>>
      %dma_start3A_21 = tpu.memref_squeeze %dma_start3A_20 : memref<1x640x128xf32, #tpu.memory_space<hbm>> -> memref<640x128xf32, #tpu.memory_space<hbm>>
      %dma_start3A_22 = arith.constant 0 : i32
      %dma_start3A_23 = tpu.memref_slice %arg16[%mul3A_2, %dma_start3A_22] : memref<10240x128xf32, #tpu.memory_space<vmem_shared>> -> memref<640x128xf32, #tpu.memory_space<vmem_shared>>
      tpu.enqueue_dma source(%dma_start3A_23 : memref<640x128xf32, #tpu.memory_space<vmem_shared>>) target(%dma_start3A_21 : memref<640x128xf32, #tpu.memory_space<hbm>>) target_semaphore(%run_scoped3A : memref<!tpu.dma_semaphore, #tpu.memory_space<semaphore_mem>>)
      %dma_wait3A = arith.constant 0 : i32
      %dma_wait3A_24 = tpu.memref_slice %arg7[%arg0, %mul3A_2, %dma_wait3A] : memref<2x10240x128xf32, #tpu.memory_space<hbm>> -> memref<1x640x128xf32, #tpu.memory_space<hbm>>
      %dma_wait3A_25 = tpu.memref_squeeze %dma_wait3A_24 : memref<1x640x128xf32, #tpu.memory_space<hbm>> -> memref<640x128xf32, #tpu.memory_space<hbm>>
      %dma_wait3A_26 = arith.constant 0 : i32
      %dma_wait3A_27 = tpu.memref_slice %arg16[%mul3A_2, %dma_wait3A_26] : memref<10240x128xf32, #tpu.memory_space<vmem_shared>> -> memref<640x128xf32, #tpu.memory_space<vmem_shared>>
      tpu.wait_dma2 semaphore(%run_scoped3A : memref<!tpu.dma_semaphore, #tpu.memory_space<semaphore_mem>>) src(%dma_wait3A_27 : memref<640x128xf32, #tpu.memory_space<vmem_shared>>) dst(%dma_wait3A_25 : memref<640x128xf32, #tpu.memory_space<hbm>>)
      tpu.yield
    }) : () -> ()
    "tpu.region"() ({
      %run_scoped3A = tpu.sem_alloc : memref<!tpu.dma_semaphore, #tpu.memory_space<semaphore_mem>>
      %dma_start3A_19 = tpu.memref_slice %arg8[%arg0, %mul3A_2] : memref<2x10240xf32, #tpu.memory_space<hbm>> -> memref<1x640xf32, #tpu.memory_space<hbm>>
      %dma_start3A_20 = tpu.memref_squeeze %dma_start3A_19 : memref<1x640xf32, #tpu.memory_space<hbm>> -> memref<640xf32, #tpu.memory_space<hbm>>
      %dma_start3A_21 = tpu.memref_slice %arg17[%mul3A_2] : memref<10240xf32, #tpu.memory_space<vmem_shared>> -> memref<640xf32, #tpu.memory_space<vmem_shared>>
      tpu.enqueue_dma source(%dma_start3A_21 : memref<640xf32, #tpu.memory_space<vmem_shared>>) target(%dma_start3A_20 : memref<640xf32, #tpu.memory_space<hbm>>) target_semaphore(%run_scoped3A : memref<!tpu.dma_semaphore, #tpu.memory_space<semaphore_mem>>)
      %dma_wait3A = tpu.memref_slice %arg8[%arg0, %mul3A_2] : memref<2x10240xf32, #tpu.memory_space<hbm>> -> memref<1x640xf32, #tpu.memory_space<hbm>>
      %dma_wait3A_22 = tpu.memref_squeeze %dma_wait3A : memref<1x640xf32, #tpu.memory_space<hbm>> -> memref<640xf32, #tpu.memory_space<hbm>>
      %dma_wait3A_23 = tpu.memref_slice %arg17[%mul3A_2] : memref<10240xf32, #tpu.memory_space<vmem_shared>> -> memref<640xf32, #tpu.memory_space<vmem_shared>>
      tpu.wait_dma2 semaphore(%run_scoped3A : memref<!tpu.dma_semaphore, #tpu.memory_space<semaphore_mem>>) src(%dma_wait3A_23 : memref<640xf32, #tpu.memory_space<vmem_shared>>) dst(%dma_wait3A_22 : memref<640xf32, #tpu.memory_space<hbm>>)
      tpu.yield
    }) : () -> ()
    return
  }
}

#map = affine_map<(d0, d1) -> (0, 0)>
#map1 = affine_map<(d0, d1) -> (0)>
#map2 = affine_map<(d0, d1) -> (0, 0, 0)>
module attributes {stable_mosaic.version = 14 : i64} {
  func.func @_sc_body(%arg0: i32, %arg1: i32, %arg2: memref<10240x128xf32, #tpu.memory_space<hbm>>, %arg3: memref<327680xi32, #tpu.memory_space<hbm>>, %arg4: memref<327680xi32, #tpu.memory_space<hbm>>, %arg5: memref<10240x128xf32, #tpu.memory_space<hbm>>, %arg6: memref<2x10240x128xf32, #tpu.memory_space<hbm>>, %arg7: memref<128xi32, #tpu.memory_space<vmem>>, %arg8: memref<128xi32, #tpu.memory_space<vmem>>, %arg9: memref<128xi32, #tpu.memory_space<vmem>>, %arg10: memref<128xi32, #tpu.memory_space<vmem>>, %arg11: memref<128x128xf32, #tpu.memory_space<vmem>>, %arg12: memref<128x128xf32, #tpu.memory_space<vmem>>, %arg13: memref<10240x128xf32, #tpu.memory_space<vmem_shared>>, %arg14: memref<!tpu.dma_semaphore, #tpu.memory_space<semaphore_mem>>, %arg15: memref<!tpu.dma_semaphore, #tpu.memory_space<semaphore_mem>>) attributes {dimension_semantics = [#tpu.dimension_semantics<core_parallel>, #tpu.dimension_semantics<subcore_parallel>], iteration_bounds = array<i64: 2, 16>, scalar_prefetch = 0 : i64, scratch_operands = 9 : i64, tpu.core_type = #tpu.core_type<sc_vector_subcore>, window_params = [{transform_indices = #map}, {transform_indices = #map1}, {transform_indices = #map1}, {transform_indices = #map}, {transform_indices = #map2}]} {
    %mul3A = arith.constant 2 : i32
    %mul3A_0 = arith.muli %arg1, %mul3A : i32
    %add3A = arith.addi %mul3A_0, %arg0 : i32
    %mul3A_1 = arith.constant 640 : i32
    %mul3A_2 = arith.muli %arg1, %mul3A_1 : i32
    "tpu.region"() ({
      %run_scoped3A = tpu.sem_alloc : memref<!tpu.dma_semaphore, #tpu.memory_space<semaphore_mem>>
      %dma_start3A_14 = arith.constant 0 : i32
      %dma_start3A_15 = tpu.memref_slice %arg13[%mul3A_2, %dma_start3A_14] : memref<10240x128xf32, #tpu.memory_space<vmem_shared>> -> memref<640x128xf32, #tpu.memory_space<vmem_shared>>
      %dma_start3A_16 = arith.constant 0 : i32
      %dma_start3A_17 = tpu.memref_slice %arg5[%mul3A_2, %dma_start3A_16] : memref<10240x128xf32, #tpu.memory_space<hbm>> -> memref<640x128xf32, #tpu.memory_space<hbm>>
      tpu.enqueue_dma source(%dma_start3A_17 : memref<640x128xf32, #tpu.memory_space<hbm>>) target(%dma_start3A_15 : memref<640x128xf32, #tpu.memory_space<vmem_shared>>) target_semaphore(%run_scoped3A : memref<!tpu.dma_semaphore, #tpu.memory_space<semaphore_mem>>)
      %dma_wait3A = arith.constant 0 : i32
      %dma_wait3A_18 = tpu.memref_slice %arg13[%mul3A_2, %dma_wait3A] : memref<10240x128xf32, #tpu.memory_space<vmem_shared>> -> memref<640x128xf32, #tpu.memory_space<vmem_shared>>
      %dma_wait3A_19 = arith.constant 0 : i32
      %dma_wait3A_20 = tpu.memref_slice %arg5[%mul3A_2, %dma_wait3A_19] : memref<10240x128xf32, #tpu.memory_space<hbm>> -> memref<640x128xf32, #tpu.memory_space<hbm>>
      tpu.wait_dma2 semaphore(%run_scoped3A : memref<!tpu.dma_semaphore, #tpu.memory_space<semaphore_mem>>) src(%dma_wait3A_20 : memref<640x128xf32, #tpu.memory_space<hbm>>) dst(%dma_wait3A_18 : memref<640x128xf32, #tpu.memory_space<vmem_shared>>)
      tpu.yield
    }) : () -> ()
    %barrier3A = arith.constant 0 : index
    tpu.barrier barrier_id(%barrier3A)
    %mul3A_3 = arith.constant 10240 : i32
    %mul3A_4 = arith.muli %add3A, %mul3A_3 : i32
    %add3A_5 = arith.constant 0 : i32
    %add3A_6 = arith.addi %mul3A_4, %add3A_5 : i32
    "tpu.region"() ({
      %run_scoped3A = tpu.sem_alloc : memref<!tpu.dma_semaphore, #tpu.memory_space<semaphore_mem>>
      %dma_start3A_14 = tpu.memref_slice %arg3[%add3A_6] : memref<327680xi32, #tpu.memory_space<hbm>> -> memref<128xi32, #tpu.memory_space<hbm>>
      %dma_start3A_15 = tpu.memref_slice %arg3[%add3A_6] : memref<327680xi32, #tpu.memory_space<hbm>> -> memref<128xi32, #tpu.memory_space<hbm>>
      tpu.enqueue_dma source(%dma_start3A_15 : memref<128xi32, #tpu.memory_space<hbm>>) target(%arg7 : memref<128xi32, #tpu.memory_space<vmem>>) target_semaphore(%run_scoped3A : memref<!tpu.dma_semaphore, #tpu.memory_space<semaphore_mem>>)
      %dma_wait3A = tpu.memref_slice %arg3[%add3A_6] : memref<327680xi32, #tpu.memory_space<hbm>> -> memref<128xi32, #tpu.memory_space<hbm>>
      %dma_wait3A_16 = tpu.memref_slice %arg3[%add3A_6] : memref<327680xi32, #tpu.memory_space<hbm>> -> memref<128xi32, #tpu.memory_space<hbm>>
      tpu.wait_dma2 semaphore(%run_scoped3A : memref<!tpu.dma_semaphore, #tpu.memory_space<semaphore_mem>>) src(%dma_wait3A_16 : memref<128xi32, #tpu.memory_space<hbm>>) dst(%arg7 : memref<128xi32, #tpu.memory_space<vmem>>)
      tpu.yield
    }) : () -> ()
    "tpu.region"() ({
      %run_scoped3A = tpu.sem_alloc : memref<!tpu.dma_semaphore, #tpu.memory_space<semaphore_mem>>
      %dma_start3A_14 = tpu.memref_slice %arg4[%add3A_6] : memref<327680xi32, #tpu.memory_space<hbm>> -> memref<128xi32, #tpu.memory_space<hbm>>
      %dma_start3A_15 = tpu.memref_slice %arg4[%add3A_6] : memref<327680xi32, #tpu.memory_space<hbm>> -> memref<128xi32, #tpu.memory_space<hbm>>
      tpu.enqueue_dma source(%dma_start3A_15 : memref<128xi32, #tpu.memory_space<hbm>>) target(%arg8 : memref<128xi32, #tpu.memory_space<vmem>>) target_semaphore(%run_scoped3A : memref<!tpu.dma_semaphore, #tpu.memory_space<semaphore_mem>>)
      %dma_wait3A = tpu.memref_slice %arg4[%add3A_6] : memref<327680xi32, #tpu.memory_space<hbm>> -> memref<128xi32, #tpu.memory_space<hbm>>
      %dma_wait3A_16 = tpu.memref_slice %arg4[%add3A_6] : memref<327680xi32, #tpu.memory_space<hbm>> -> memref<128xi32, #tpu.memory_space<hbm>>
      tpu.wait_dma2 semaphore(%run_scoped3A : memref<!tpu.dma_semaphore, #tpu.memory_space<semaphore_mem>>) src(%dma_wait3A_16 : memref<128xi32, #tpu.memory_space<hbm>>) dst(%arg8 : memref<128xi32, #tpu.memory_space<vmem>>)
      tpu.yield
    }) : () -> ()
    %dma_start3A = arith.constant 0 : i32
    %dma_start3A_7 = arith.constant 0 : i32
    %dma_start3A_8 = tpu.memref_slice %arg2[%dma_start3A, %dma_start3A_7] : memref<10240x128xf32, #tpu.memory_space<hbm>> -> memref<10240x128xf32, #tpu.memory_space<hbm>>
    tpu.enqueue_indirect_dma source(%dma_start3A_8 : memref<10240x128xf32, #tpu.memory_space<hbm>>) target(%arg11 : memref<128x128xf32, #tpu.memory_space<vmem>>) offsets(%arg7 : memref<128xi32, #tpu.memory_space<vmem>>) semaphore(%arg14 : memref<!tpu.dma_semaphore, #tpu.memory_space<semaphore_mem>>)
    %scan3A = arith.constant 0 : i32
    %scan3A_9 = arith.constant 40 : i32
    %scan3A_10 = arith.addi %scan3A, %scan3A_9 : i32
    %scan3A_11 = arith.constant 1 : i32
    scf.for %scan3A_14 = %scan3A to %scan3A_10 step %scan3A_11  : i32 {
      %mul3A_15 = arith.constant 1 : i32
      %mul3A_16 = arith.muli %scan3A_14, %mul3A_15 : i32
      %add3A_17 = arith.constant 0 : i32
      %add3A_18 = arith.addi %add3A_17, %mul3A_16 : i32
      %mul3A_19 = arith.constant 2 : i32
      %mul3A_20 = arith.muli %mul3A_19, %add3A_18 : i32
      %add3A_21 = arith.constant 1 : i32
      %add3A_22 = arith.addi %mul3A_20, %add3A_21 : i32
      %mul3A_23 = arith.constant 128 : i32
      %mul3A_24 = arith.muli %add3A_22, %mul3A_23 : i32
      %add3A_25 = arith.addi %mul3A_4, %mul3A_24 : i32
      "tpu.region"() ({
        %run_scoped3A = tpu.sem_alloc : memref<!tpu.dma_semaphore, #tpu.memory_space<semaphore_mem>>
        %dma_start3A_36 = tpu.memref_slice %arg3[%add3A_25] : memref<327680xi32, #tpu.memory_space<hbm>> -> memref<128xi32, #tpu.memory_space<hbm>>
        %dma_start3A_37 = tpu.memref_slice %arg3[%add3A_25] : memref<327680xi32, #tpu.memory_space<hbm>> -> memref<128xi32, #tpu.memory_space<hbm>>
        tpu.enqueue_dma source(%dma_start3A_37 : memref<128xi32, #tpu.memory_space<hbm>>) target(%arg9 : memref<128xi32, #tpu.memory_space<vmem>>) target_semaphore(%run_scoped3A : memref<!tpu.dma_semaphore, #tpu.memory_space<semaphore_mem>>)
        %dma_wait3A_38 = tpu.memref_slice %arg3[%add3A_25] : memref<327680xi32, #tpu.memory_space<hbm>> -> memref<128xi32, #tpu.memory_space<hbm>>
        %dma_wait3A_39 = tpu.memref_slice %arg3[%add3A_25] : memref<327680xi32, #tpu.memory_space<hbm>> -> memref<128xi32, #tpu.memory_space<hbm>>
        tpu.wait_dma2 semaphore(%run_scoped3A : memref<!tpu.dma_semaphore, #tpu.memory_space<semaphore_mem>>) src(%dma_wait3A_39 : memref<128xi32, #tpu.memory_space<hbm>>) dst(%arg9 : memref<128xi32, #tpu.memory_space<vmem>>)
        tpu.yield
      }) : () -> ()
      "tpu.region"() ({
        %run_scoped3A = tpu.sem_alloc : memref<!tpu.dma_semaphore, #tpu.memory_space<semaphore_mem>>
        %dma_start3A_36 = tpu.memref_slice %arg4[%add3A_25] : memref<327680xi32, #tpu.memory_space<hbm>> -> memref<128xi32, #tpu.memory_space<hbm>>
        %dma_start3A_37 = tpu.memref_slice %arg4[%add3A_25] : memref<327680xi32, #tpu.memory_space<hbm>> -> memref<128xi32, #tpu.memory_space<hbm>>
        tpu.enqueue_dma source(%dma_start3A_37 : memref<128xi32, #tpu.memory_space<hbm>>) target(%arg10 : memref<128xi32, #tpu.memory_space<vmem>>) target_semaphore(%run_scoped3A : memref<!tpu.dma_semaphore, #tpu.memory_space<semaphore_mem>>)
        %dma_wait3A_38 = tpu.memref_slice %arg4[%add3A_25] : memref<327680xi32, #tpu.memory_space<hbm>> -> memref<128xi32, #tpu.memory_space<hbm>>
        %dma_wait3A_39 = tpu.memref_slice %arg4[%add3A_25] : memref<327680xi32, #tpu.memory_space<hbm>> -> memref<128xi32, #tpu.memory_space<hbm>>
        tpu.wait_dma2 semaphore(%run_scoped3A : memref<!tpu.dma_semaphore, #tpu.memory_space<semaphore_mem>>) src(%dma_wait3A_39 : memref<128xi32, #tpu.memory_space<hbm>>) dst(%arg10 : memref<128xi32, #tpu.memory_space<vmem>>)
        tpu.yield
      }) : () -> ()
      %dma_start3A_26 = arith.constant 0 : i32
      %dma_start3A_27 = arith.constant 0 : i32
      %dma_start3A_28 = tpu.memref_slice %arg2[%dma_start3A_26, %dma_start3A_27] : memref<10240x128xf32, #tpu.memory_space<hbm>> -> memref<10240x128xf32, #tpu.memory_space<hbm>>
      tpu.enqueue_indirect_dma source(%dma_start3A_28 : memref<10240x128xf32, #tpu.memory_space<hbm>>) target(%arg12 : memref<128x128xf32, #tpu.memory_space<vmem>>) offsets(%arg9 : memref<128xi32, #tpu.memory_space<vmem>>) semaphore(%arg15 : memref<!tpu.dma_semaphore, #tpu.memory_space<semaphore_mem>>)
      %dma_wait3A = arith.constant 0 : i32
      %dma_wait3A_29 = arith.constant 0 : i32
      %dma_wait3A_30 = tpu.memref_slice %arg2[%dma_wait3A, %dma_wait3A_29] : memref<10240x128xf32, #tpu.memory_space<hbm>> -> memref<10240x128xf32, #tpu.memory_space<hbm>>
      tpu.wait_indirect_dma semaphore(%arg14 : memref<!tpu.dma_semaphore, #tpu.memory_space<semaphore_mem>>) src(%dma_wait3A_30 : memref<10240x128xf32, #tpu.memory_space<hbm>>) dst(%arg11 : memref<128x128xf32, #tpu.memory_space<vmem>>)
      "tpu.region"() ({
        %run_scoped3A = tpu.sem_alloc : memref<!tpu.dma_semaphore, #tpu.memory_space<semaphore_mem>>
        %dma_start3A_36 = arith.constant 0 : i32
        %dma_start3A_37 = arith.constant 0 : i32
        %dma_start3A_38 = tpu.memref_slice %arg13[%dma_start3A_36, %dma_start3A_37] : memref<10240x128xf32, #tpu.memory_space<vmem_shared>> -> memref<10240x128xf32, #tpu.memory_space<vmem_shared>>
        tpu.enqueue_indirect_dma source(%arg11 : memref<128x128xf32, #tpu.memory_space<vmem>>) target(%dma_start3A_38 : memref<10240x128xf32, #tpu.memory_space<vmem_shared>>) offsets(%arg8 : memref<128xi32, #tpu.memory_space<vmem>>) semaphore(%run_scoped3A : memref<!tpu.dma_semaphore, #tpu.memory_space<semaphore_mem>>) {add = true}
        %dma_wait3A_39 = arith.constant 0 : i32
        %dma_wait3A_40 = arith.constant 0 : i32
        %dma_wait3A_41 = tpu.memref_slice %arg13[%dma_wait3A_39, %dma_wait3A_40] : memref<10240x128xf32, #tpu.memory_space<vmem_shared>> -> memref<10240x128xf32, #tpu.memory_space<vmem_shared>>
        tpu.wait_indirect_dma semaphore(%run_scoped3A : memref<!tpu.dma_semaphore, #tpu.memory_space<semaphore_mem>>) src(%arg11 : memref<128x128xf32, #tpu.memory_space<vmem>>) dst(%dma_wait3A_41 : memref<10240x128xf32, #tpu.memory_space<vmem_shared>>)
        tpu.yield
      }) : () -> ()
      %lt3A = arith.constant 39 : i32
      %lt3A_31 = arith.cmpi slt, %add3A_18, %lt3A : i32
      %convert_element_type3A = arith.extui %lt3A_31 : i1 to i32
      %cond3A = arith.constant 0 : i32
      %cond3A_32 = arith.cmpi ne, %convert_element_type3A, %cond3A : i32
      scf.if %cond3A_32 {
        %add3A_36 = arith.constant 2 : i32
        %add3A_37 = arith.addi %mul3A_20, %add3A_36 : i32
        %mul3A_38 = arith.constant 128 : i32
        %mul3A_39 = arith.muli %add3A_37, %mul3A_38 : i32
        %add3A_40 = arith.addi %mul3A_4, %mul3A_39 : i32
        "tpu.region"() ({
          %run_scoped3A = tpu.sem_alloc : memref<!tpu.dma_semaphore, #tpu.memory_space<semaphore_mem>>
          %dma_start3A_44 = tpu.memref_slice %arg3[%add3A_40] : memref<327680xi32, #tpu.memory_space<hbm>> -> memref<128xi32, #tpu.memory_space<hbm>>
          %dma_start3A_45 = tpu.memref_slice %arg3[%add3A_40] : memref<327680xi32, #tpu.memory_space<hbm>> -> memref<128xi32, #tpu.memory_space<hbm>>
          tpu.enqueue_dma source(%dma_start3A_45 : memref<128xi32, #tpu.memory_space<hbm>>) target(%arg7 : memref<128xi32, #tpu.memory_space<vmem>>) target_semaphore(%run_scoped3A : memref<!tpu.dma_semaphore, #tpu.memory_space<semaphore_mem>>)
          %dma_wait3A_46 = tpu.memref_slice %arg3[%add3A_40] : memref<327680xi32, #tpu.memory_space<hbm>> -> memref<128xi32, #tpu.memory_space<hbm>>
          %dma_wait3A_47 = tpu.memref_slice %arg3[%add3A_40] : memref<327680xi32, #tpu.memory_space<hbm>> -> memref<128xi32, #tpu.memory_space<hbm>>
          tpu.wait_dma2 semaphore(%run_scoped3A : memref<!tpu.dma_semaphore, #tpu.memory_space<semaphore_mem>>) src(%dma_wait3A_47 : memref<128xi32, #tpu.memory_space<hbm>>) dst(%arg7 : memref<128xi32, #tpu.memory_space<vmem>>)
          tpu.yield
        }) : () -> ()
        "tpu.region"() ({
          %run_scoped3A = tpu.sem_alloc : memref<!tpu.dma_semaphore, #tpu.memory_space<semaphore_mem>>
          %dma_start3A_44 = tpu.memref_slice %arg4[%add3A_40] : memref<327680xi32, #tpu.memory_space<hbm>> -> memref<128xi32, #tpu.memory_space<hbm>>
          %dma_start3A_45 = tpu.memref_slice %arg4[%add3A_40] : memref<327680xi32, #tpu.memory_space<hbm>> -> memref<128xi32, #tpu.memory_space<hbm>>
          tpu.enqueue_dma source(%dma_start3A_45 : memref<128xi32, #tpu.memory_space<hbm>>) target(%arg8 : memref<128xi32, #tpu.memory_space<vmem>>) target_semaphore(%run_scoped3A : memref<!tpu.dma_semaphore, #tpu.memory_space<semaphore_mem>>)
          %dma_wait3A_46 = tpu.memref_slice %arg4[%add3A_40] : memref<327680xi32, #tpu.memory_space<hbm>> -> memref<128xi32, #tpu.memory_space<hbm>>
          %dma_wait3A_47 = tpu.memref_slice %arg4[%add3A_40] : memref<327680xi32, #tpu.memory_space<hbm>> -> memref<128xi32, #tpu.memory_space<hbm>>
          tpu.wait_dma2 semaphore(%run_scoped3A : memref<!tpu.dma_semaphore, #tpu.memory_space<semaphore_mem>>) src(%dma_wait3A_47 : memref<128xi32, #tpu.memory_space<hbm>>) dst(%arg8 : memref<128xi32, #tpu.memory_space<vmem>>)
          tpu.yield
        }) : () -> ()
        %dma_start3A_41 = arith.constant 0 : i32
        %dma_start3A_42 = arith.constant 0 : i32
        %dma_start3A_43 = tpu.memref_slice %arg2[%dma_start3A_41, %dma_start3A_42] : memref<10240x128xf32, #tpu.memory_space<hbm>> -> memref<10240x128xf32, #tpu.memory_space<hbm>>
        tpu.enqueue_indirect_dma source(%dma_start3A_43 : memref<10240x128xf32, #tpu.memory_space<hbm>>) target(%arg11 : memref<128x128xf32, #tpu.memory_space<vmem>>) offsets(%arg7 : memref<128xi32, #tpu.memory_space<vmem>>) semaphore(%arg14 : memref<!tpu.dma_semaphore, #tpu.memory_space<semaphore_mem>>)
      } else {
      }
      %dma_wait3A_33 = arith.constant 0 : i32
      %dma_wait3A_34 = arith.constant 0 : i32
      %dma_wait3A_35 = tpu.memref_slice %arg2[%dma_wait3A_33, %dma_wait3A_34] : memref<10240x128xf32, #tpu.memory_space<hbm>> -> memref<10240x128xf32, #tpu.memory_space<hbm>>
      tpu.wait_indirect_dma semaphore(%arg15 : memref<!tpu.dma_semaphore, #tpu.memory_space<semaphore_mem>>) src(%dma_wait3A_35 : memref<10240x128xf32, #tpu.memory_space<hbm>>) dst(%arg12 : memref<128x128xf32, #tpu.memory_space<vmem>>)
      "tpu.region"() ({
        %run_scoped3A = tpu.sem_alloc : memref<!tpu.dma_semaphore, #tpu.memory_space<semaphore_mem>>
        %dma_start3A_36 = arith.constant 0 : i32
        %dma_start3A_37 = arith.constant 0 : i32
        %dma_start3A_38 = tpu.memref_slice %arg13[%dma_start3A_36, %dma_start3A_37] : memref<10240x128xf32, #tpu.memory_space<vmem_shared>> -> memref<10240x128xf32, #tpu.memory_space<vmem_shared>>
        tpu.enqueue_indirect_dma source(%arg12 : memref<128x128xf32, #tpu.memory_space<vmem>>) target(%dma_start3A_38 : memref<10240x128xf32, #tpu.memory_space<vmem_shared>>) offsets(%arg10 : memref<128xi32, #tpu.memory_space<vmem>>) semaphore(%run_scoped3A : memref<!tpu.dma_semaphore, #tpu.memory_space<semaphore_mem>>) {add = true}
        %dma_wait3A_39 = arith.constant 0 : i32
        %dma_wait3A_40 = arith.constant 0 : i32
        %dma_wait3A_41 = tpu.memref_slice %arg13[%dma_wait3A_39, %dma_wait3A_40] : memref<10240x128xf32, #tpu.memory_space<vmem_shared>> -> memref<10240x128xf32, #tpu.memory_space<vmem_shared>>
        tpu.wait_indirect_dma semaphore(%run_scoped3A : memref<!tpu.dma_semaphore, #tpu.memory_space<semaphore_mem>>) src(%arg12 : memref<128x128xf32, #tpu.memory_space<vmem>>) dst(%dma_wait3A_41 : memref<10240x128xf32, #tpu.memory_space<vmem_shared>>)
        tpu.yield
      }) : () -> ()
    }
    %scan3A_12 = arith.constant 40 : i32
    %barrier3A_13 = arith.constant 0 : index
    tpu.barrier barrier_id(%barrier3A_13)
    "tpu.region"() ({
      %run_scoped3A = tpu.sem_alloc : memref<!tpu.dma_semaphore, #tpu.memory_space<semaphore_mem>>
      %dma_start3A_14 = arith.constant 0 : i32
      %dma_start3A_15 = tpu.memref_slice %arg6[%arg0, %mul3A_2, %dma_start3A_14] : memref<2x10240x128xf32, #tpu.memory_space<hbm>> -> memref<1x640x128xf32, #tpu.memory_space<hbm>>
      %dma_start3A_16 = tpu.memref_squeeze %dma_start3A_15 : memref<1x640x128xf32, #tpu.memory_space<hbm>> -> memref<640x128xf32, #tpu.memory_space<hbm>>
      %dma_start3A_17 = arith.constant 0 : i32
      %dma_start3A_18 = tpu.memref_slice %arg13[%mul3A_2, %dma_start3A_17] : memref<10240x128xf32, #tpu.memory_space<vmem_shared>> -> memref<640x128xf32, #tpu.memory_space<vmem_shared>>
      tpu.enqueue_dma source(%dma_start3A_18 : memref<640x128xf32, #tpu.memory_space<vmem_shared>>) target(%dma_start3A_16 : memref<640x128xf32, #tpu.memory_space<hbm>>) target_semaphore(%run_scoped3A : memref<!tpu.dma_semaphore, #tpu.memory_space<semaphore_mem>>)
      %dma_wait3A = arith.constant 0 : i32
      %dma_wait3A_19 = tpu.memref_slice %arg6[%arg0, %mul3A_2, %dma_wait3A] : memref<2x10240x128xf32, #tpu.memory_space<hbm>> -> memref<1x640x128xf32, #tpu.memory_space<hbm>>
      %dma_wait3A_20 = tpu.memref_squeeze %dma_wait3A_19 : memref<1x640x128xf32, #tpu.memory_space<hbm>> -> memref<640x128xf32, #tpu.memory_space<hbm>>
      %dma_wait3A_21 = arith.constant 0 : i32
      %dma_wait3A_22 = tpu.memref_slice %arg13[%mul3A_2, %dma_wait3A_21] : memref<10240x128xf32, #tpu.memory_space<vmem_shared>> -> memref<640x128xf32, #tpu.memory_space<vmem_shared>>
      tpu.wait_dma2 semaphore(%run_scoped3A : memref<!tpu.dma_semaphore, #tpu.memory_space<semaphore_mem>>) src(%dma_wait3A_22 : memref<640x128xf32, #tpu.memory_space<vmem_shared>>) dst(%dma_wait3A_20 : memref<640x128xf32, #tpu.memory_space<hbm>>)
      tpu.yield
    }) : () -> ()
    return
  }
}

#map = affine_map<(d0, d1) -> (0, 0)>
#map1 = affine_map<(d0, d1) -> (0)>
#map2 = affine_map<(d0, d1) -> (0, 0, 0)>
module attributes {stable_mosaic.version = 14 : i64} {
  func.func @_sc_body(%arg0: i32, %arg1: i32, %arg2: memref<10240x128xf32, #tpu.memory_space<hbm>>, %arg3: memref<327680xi32, #tpu.memory_space<hbm>>, %arg4: memref<327680xi32, #tpu.memory_space<hbm>>, %arg5: memref<10240x128xf32, #tpu.memory_space<hbm>>, %arg6: memref<2x10240x128xf32, #tpu.memory_space<hbm>>, %arg7: memref<128xi32, #tpu.memory_space<vmem>>, %arg8: memref<128xi32, #tpu.memory_space<vmem>>, %arg9: memref<128xi32, #tpu.memory_space<vmem>>, %arg10: memref<128xi32, #tpu.memory_space<vmem>>, %arg11: memref<128x128xf32, #tpu.memory_space<vmem>>, %arg12: memref<128x128xf32, #tpu.memory_space<vmem>>, %arg13: memref<10240x128xf32, #tpu.memory_space<vmem_shared>>, %arg14: memref<!tpu.dma_semaphore, #tpu.memory_space<semaphore_mem>>, %arg15: memref<!tpu.dma_semaphore, #tpu.memory_space<semaphore_mem>>) attributes {dimension_semantics = [#tpu.dimension_semantics<core_parallel>, #tpu.dimension_semantics<subcore_parallel>], iteration_bounds = array<i64: 2, 16>, scalar_prefetch = 0 : i64, scratch_operands = 9 : i64, tpu.core_type = #tpu.core_type<sc_vector_subcore>, window_params = [{transform_indices = #map}, {transform_indices = #map1}, {transform_indices = #map1}, {transform_indices = #map}, {transform_indices = #map2}]} {
    %mul3A = arith.constant 2 : i32
    %mul3A_0 = arith.muli %arg1, %mul3A : i32
    %add3A = arith.addi %mul3A_0, %arg0 : i32
    %mul3A_1 = arith.constant 640 : i32
    %mul3A_2 = arith.muli %arg1, %mul3A_1 : i32
    "tpu.region"() ({
      %run_scoped3A = tpu.sem_alloc : memref<!tpu.dma_semaphore, #tpu.memory_space<semaphore_mem>>
      %dma_start3A_14 = arith.constant 0 : i32
      %dma_start3A_15 = tpu.memref_slice %arg13[%mul3A_2, %dma_start3A_14] : memref<10240x128xf32, #tpu.memory_space<vmem_shared>> -> memref<640x128xf32, #tpu.memory_space<vmem_shared>>
      %dma_start3A_16 = arith.constant 0 : i32
      %dma_start3A_17 = tpu.memref_slice %arg5[%mul3A_2, %dma_start3A_16] : memref<10240x128xf32, #tpu.memory_space<hbm>> -> memref<640x128xf32, #tpu.memory_space<hbm>>
      tpu.enqueue_dma source(%dma_start3A_17 : memref<640x128xf32, #tpu.memory_space<hbm>>) target(%dma_start3A_15 : memref<640x128xf32, #tpu.memory_space<vmem_shared>>) target_semaphore(%run_scoped3A : memref<!tpu.dma_semaphore, #tpu.memory_space<semaphore_mem>>)
      %dma_wait3A = arith.constant 0 : i32
      %dma_wait3A_18 = tpu.memref_slice %arg13[%mul3A_2, %dma_wait3A] : memref<10240x128xf32, #tpu.memory_space<vmem_shared>> -> memref<640x128xf32, #tpu.memory_space<vmem_shared>>
      %dma_wait3A_19 = arith.constant 0 : i32
      %dma_wait3A_20 = tpu.memref_slice %arg5[%mul3A_2, %dma_wait3A_19] : memref<10240x128xf32, #tpu.memory_space<hbm>> -> memref<640x128xf32, #tpu.memory_space<hbm>>
      tpu.wait_dma2 semaphore(%run_scoped3A : memref<!tpu.dma_semaphore, #tpu.memory_space<semaphore_mem>>) src(%dma_wait3A_20 : memref<640x128xf32, #tpu.memory_space<hbm>>) dst(%dma_wait3A_18 : memref<640x128xf32, #tpu.memory_space<vmem_shared>>)
      tpu.yield
    }) : () -> ()
    %barrier3A = arith.constant 0 : index
    tpu.barrier barrier_id(%barrier3A)
    %mul3A_3 = arith.constant 10240 : i32
    %mul3A_4 = arith.muli %add3A, %mul3A_3 : i32
    %add3A_5 = arith.constant 0 : i32
    %add3A_6 = arith.addi %mul3A_4, %add3A_5 : i32
    "tpu.region"() ({
      %run_scoped3A = tpu.sem_alloc : memref<!tpu.dma_semaphore, #tpu.memory_space<semaphore_mem>>
      %dma_start3A_14 = tpu.memref_slice %arg3[%add3A_6] : memref<327680xi32, #tpu.memory_space<hbm>> -> memref<128xi32, #tpu.memory_space<hbm>>
      %dma_start3A_15 = tpu.memref_slice %arg3[%add3A_6] : memref<327680xi32, #tpu.memory_space<hbm>> -> memref<128xi32, #tpu.memory_space<hbm>>
      tpu.enqueue_dma source(%dma_start3A_15 : memref<128xi32, #tpu.memory_space<hbm>>) target(%arg7 : memref<128xi32, #tpu.memory_space<vmem>>) target_semaphore(%run_scoped3A : memref<!tpu.dma_semaphore, #tpu.memory_space<semaphore_mem>>)
      %dma_wait3A = tpu.memref_slice %arg3[%add3A_6] : memref<327680xi32, #tpu.memory_space<hbm>> -> memref<128xi32, #tpu.memory_space<hbm>>
      %dma_wait3A_16 = tpu.memref_slice %arg3[%add3A_6] : memref<327680xi32, #tpu.memory_space<hbm>> -> memref<128xi32, #tpu.memory_space<hbm>>
      tpu.wait_dma2 semaphore(%run_scoped3A : memref<!tpu.dma_semaphore, #tpu.memory_space<semaphore_mem>>) src(%dma_wait3A_16 : memref<128xi32, #tpu.memory_space<hbm>>) dst(%arg7 : memref<128xi32, #tpu.memory_space<vmem>>)
      tpu.yield
    }) : () -> ()
    "tpu.region"() ({
      %run_scoped3A = tpu.sem_alloc : memref<!tpu.dma_semaphore, #tpu.memory_space<semaphore_mem>>
      %dma_start3A_14 = tpu.memref_slice %arg4[%add3A_6] : memref<327680xi32, #tpu.memory_space<hbm>> -> memref<128xi32, #tpu.memory_space<hbm>>
      %dma_start3A_15 = tpu.memref_slice %arg4[%add3A_6] : memref<327680xi32, #tpu.memory_space<hbm>> -> memref<128xi32, #tpu.memory_space<hbm>>
      tpu.enqueue_dma source(%dma_start3A_15 : memref<128xi32, #tpu.memory_space<hbm>>) target(%arg8 : memref<128xi32, #tpu.memory_space<vmem>>) target_semaphore(%run_scoped3A : memref<!tpu.dma_semaphore, #tpu.memory_space<semaphore_mem>>)
      %dma_wait3A = tpu.memref_slice %arg4[%add3A_6] : memref<327680xi32, #tpu.memory_space<hbm>> -> memref<128xi32, #tpu.memory_space<hbm>>
      %dma_wait3A_16 = tpu.memref_slice %arg4[%add3A_6] : memref<327680xi32, #tpu.memory_space<hbm>> -> memref<128xi32, #tpu.memory_space<hbm>>
      tpu.wait_dma2 semaphore(%run_scoped3A : memref<!tpu.dma_semaphore, #tpu.memory_space<semaphore_mem>>) src(%dma_wait3A_16 : memref<128xi32, #tpu.memory_space<hbm>>) dst(%arg8 : memref<128xi32, #tpu.memory_space<vmem>>)
      tpu.yield
    }) : () -> ()
    %dma_start3A = arith.constant 0 : i32
    %dma_start3A_7 = arith.constant 0 : i32
    %dma_start3A_8 = tpu.memref_slice %arg2[%dma_start3A, %dma_start3A_7] : memref<10240x128xf32, #tpu.memory_space<hbm>> -> memref<10240x128xf32, #tpu.memory_space<hbm>>
    tpu.enqueue_indirect_dma source(%dma_start3A_8 : memref<10240x128xf32, #tpu.memory_space<hbm>>) target(%arg11 : memref<128x128xf32, #tpu.memory_space<vmem>>) offsets(%arg7 : memref<128xi32, #tpu.memory_space<vmem>>) semaphore(%arg14 : memref<!tpu.dma_semaphore, #tpu.memory_space<semaphore_mem>>)
    %scan3A = arith.constant 0 : i32
    %scan3A_9 = arith.constant 40 : i32
    %scan3A_10 = arith.addi %scan3A, %scan3A_9 : i32
    %scan3A_11 = arith.constant 1 : i32
    scf.for %scan3A_14 = %scan3A to %scan3A_10 step %scan3A_11  : i32 {
      %mul3A_15 = arith.constant 1 : i32
      %mul3A_16 = arith.muli %scan3A_14, %mul3A_15 : i32
      %add3A_17 = arith.constant 0 : i32
      %add3A_18 = arith.addi %add3A_17, %mul3A_16 : i32
      %mul3A_19 = arith.constant 2 : i32
      %mul3A_20 = arith.muli %mul3A_19, %add3A_18 : i32
      %add3A_21 = arith.constant 1 : i32
      %add3A_22 = arith.addi %mul3A_20, %add3A_21 : i32
      %mul3A_23 = arith.constant 128 : i32
      %mul3A_24 = arith.muli %add3A_22, %mul3A_23 : i32
      %add3A_25 = arith.addi %mul3A_4, %mul3A_24 : i32
      "tpu.region"() ({
        %run_scoped3A = tpu.sem_alloc : memref<!tpu.dma_semaphore, #tpu.memory_space<semaphore_mem>>
        %dma_start3A_36 = tpu.memref_slice %arg3[%add3A_25] : memref<327680xi32, #tpu.memory_space<hbm>> -> memref<128xi32, #tpu.memory_space<hbm>>
        %dma_start3A_37 = tpu.memref_slice %arg3[%add3A_25] : memref<327680xi32, #tpu.memory_space<hbm>> -> memref<128xi32, #tpu.memory_space<hbm>>
        tpu.enqueue_dma source(%dma_start3A_37 : memref<128xi32, #tpu.memory_space<hbm>>) target(%arg9 : memref<128xi32, #tpu.memory_space<vmem>>) target_semaphore(%run_scoped3A : memref<!tpu.dma_semaphore, #tpu.memory_space<semaphore_mem>>)
        %dma_wait3A_38 = tpu.memref_slice %arg3[%add3A_25] : memref<327680xi32, #tpu.memory_space<hbm>> -> memref<128xi32, #tpu.memory_space<hbm>>
        %dma_wait3A_39 = tpu.memref_slice %arg3[%add3A_25] : memref<327680xi32, #tpu.memory_space<hbm>> -> memref<128xi32, #tpu.memory_space<hbm>>
        tpu.wait_dma2 semaphore(%run_scoped3A : memref<!tpu.dma_semaphore, #tpu.memory_space<semaphore_mem>>) src(%dma_wait3A_39 : memref<128xi32, #tpu.memory_space<hbm>>) dst(%arg9 : memref<128xi32, #tpu.memory_space<vmem>>)
        tpu.yield
      }) : () -> ()
      "tpu.region"() ({
        %run_scoped3A = tpu.sem_alloc : memref<!tpu.dma_semaphore, #tpu.memory_space<semaphore_mem>>
        %dma_start3A_36 = tpu.memref_slice %arg4[%add3A_25] : memref<327680xi32, #tpu.memory_space<hbm>> -> memref<128xi32, #tpu.memory_space<hbm>>
        %dma_start3A_37 = tpu.memref_slice %arg4[%add3A_25] : memref<327680xi32, #tpu.memory_space<hbm>> -> memref<128xi32, #tpu.memory_space<hbm>>
        tpu.enqueue_dma source(%dma_start3A_37 : memref<128xi32, #tpu.memory_space<hbm>>) target(%arg10 : memref<128xi32, #tpu.memory_space<vmem>>) target_semaphore(%run_scoped3A : memref<!tpu.dma_semaphore, #tpu.memory_space<semaphore_mem>>)
        %dma_wait3A_38 = tpu.memref_slice %arg4[%add3A_25] : memref<327680xi32, #tpu.memory_space<hbm>> -> memref<128xi32, #tpu.memory_space<hbm>>
        %dma_wait3A_39 = tpu.memref_slice %arg4[%add3A_25] : memref<327680xi32, #tpu.memory_space<hbm>> -> memref<128xi32, #tpu.memory_space<hbm>>
        tpu.wait_dma2 semaphore(%run_scoped3A : memref<!tpu.dma_semaphore, #tpu.memory_space<semaphore_mem>>) src(%dma_wait3A_39 : memref<128xi32, #tpu.memory_space<hbm>>) dst(%arg10 : memref<128xi32, #tpu.memory_space<vmem>>)
        tpu.yield
      }) : () -> ()
      %dma_start3A_26 = arith.constant 0 : i32
      %dma_start3A_27 = arith.constant 0 : i32
      %dma_start3A_28 = tpu.memref_slice %arg2[%dma_start3A_26, %dma_start3A_27] : memref<10240x128xf32, #tpu.memory_space<hbm>> -> memref<10240x128xf32, #tpu.memory_space<hbm>>
      tpu.enqueue_indirect_dma source(%dma_start3A_28 : memref<10240x128xf32, #tpu.memory_space<hbm>>) target(%arg12 : memref<128x128xf32, #tpu.memory_space<vmem>>) offsets(%arg9 : memref<128xi32, #tpu.memory_space<vmem>>) semaphore(%arg15 : memref<!tpu.dma_semaphore, #tpu.memory_space<semaphore_mem>>)
      %dma_wait3A = arith.constant 0 : i32
      %dma_wait3A_29 = arith.constant 0 : i32
      %dma_wait3A_30 = tpu.memref_slice %arg2[%dma_wait3A, %dma_wait3A_29] : memref<10240x128xf32, #tpu.memory_space<hbm>> -> memref<10240x128xf32, #tpu.memory_space<hbm>>
      tpu.wait_indirect_dma semaphore(%arg14 : memref<!tpu.dma_semaphore, #tpu.memory_space<semaphore_mem>>) src(%dma_wait3A_30 : memref<10240x128xf32, #tpu.memory_space<hbm>>) dst(%arg11 : memref<128x128xf32, #tpu.memory_space<vmem>>)
      "tpu.region"() ({
        %run_scoped3A = tpu.sem_alloc : memref<!tpu.dma_semaphore, #tpu.memory_space<semaphore_mem>>
        %dma_start3A_36 = arith.constant 0 : i32
        %dma_start3A_37 = arith.constant 0 : i32
        %dma_start3A_38 = tpu.memref_slice %arg13[%dma_start3A_36, %dma_start3A_37] : memref<10240x128xf32, #tpu.memory_space<vmem_shared>> -> memref<10240x128xf32, #tpu.memory_space<vmem_shared>>
        tpu.enqueue_indirect_dma source(%arg11 : memref<128x128xf32, #tpu.memory_space<vmem>>) target(%dma_start3A_38 : memref<10240x128xf32, #tpu.memory_space<vmem_shared>>) offsets(%arg8 : memref<128xi32, #tpu.memory_space<vmem>>) semaphore(%run_scoped3A : memref<!tpu.dma_semaphore, #tpu.memory_space<semaphore_mem>>) {add = true}
        %dma_wait3A_39 = arith.constant 0 : i32
        %dma_wait3A_40 = arith.constant 0 : i32
        %dma_wait3A_41 = tpu.memref_slice %arg13[%dma_wait3A_39, %dma_wait3A_40] : memref<10240x128xf32, #tpu.memory_space<vmem_shared>> -> memref<10240x128xf32, #tpu.memory_space<vmem_shared>>
        tpu.wait_indirect_dma semaphore(%run_scoped3A : memref<!tpu.dma_semaphore, #tpu.memory_space<semaphore_mem>>) src(%arg11 : memref<128x128xf32, #tpu.memory_space<vmem>>) dst(%dma_wait3A_41 : memref<10240x128xf32, #tpu.memory_space<vmem_shared>>)
        tpu.yield
      }) : () -> ()
      %lt3A = arith.constant 39 : i32
      %lt3A_31 = arith.cmpi slt, %add3A_18, %lt3A : i32
      %convert_element_type3A = arith.extui %lt3A_31 : i1 to i32
      %cond3A = arith.constant 0 : i32
      %cond3A_32 = arith.cmpi ne, %convert_element_type3A, %cond3A : i32
      scf.if %cond3A_32 {
        %add3A_36 = arith.constant 2 : i32
        %add3A_37 = arith.addi %mul3A_20, %add3A_36 : i32
        %mul3A_38 = arith.constant 128 : i32
        %mul3A_39 = arith.muli %add3A_37, %mul3A_38 : i32
        %add3A_40 = arith.addi %mul3A_4, %mul3A_39 : i32
        "tpu.region"() ({
          %run_scoped3A = tpu.sem_alloc : memref<!tpu.dma_semaphore, #tpu.memory_space<semaphore_mem>>
          %dma_start3A_44 = tpu.memref_slice %arg3[%add3A_40] : memref<327680xi32, #tpu.memory_space<hbm>> -> memref<128xi32, #tpu.memory_space<hbm>>
          %dma_start3A_45 = tpu.memref_slice %arg3[%add3A_40] : memref<327680xi32, #tpu.memory_space<hbm>> -> memref<128xi32, #tpu.memory_space<hbm>>
          tpu.enqueue_dma source(%dma_start3A_45 : memref<128xi32, #tpu.memory_space<hbm>>) target(%arg7 : memref<128xi32, #tpu.memory_space<vmem>>) target_semaphore(%run_scoped3A : memref<!tpu.dma_semaphore, #tpu.memory_space<semaphore_mem>>)
          %dma_wait3A_46 = tpu.memref_slice %arg3[%add3A_40] : memref<327680xi32, #tpu.memory_space<hbm>> -> memref<128xi32, #tpu.memory_space<hbm>>
          %dma_wait3A_47 = tpu.memref_slice %arg3[%add3A_40] : memref<327680xi32, #tpu.memory_space<hbm>> -> memref<128xi32, #tpu.memory_space<hbm>>
          tpu.wait_dma2 semaphore(%run_scoped3A : memref<!tpu.dma_semaphore, #tpu.memory_space<semaphore_mem>>) src(%dma_wait3A_47 : memref<128xi32, #tpu.memory_space<hbm>>) dst(%arg7 : memref<128xi32, #tpu.memory_space<vmem>>)
          tpu.yield
        }) : () -> ()
        "tpu.region"() ({
          %run_scoped3A = tpu.sem_alloc : memref<!tpu.dma_semaphore, #tpu.memory_space<semaphore_mem>>
          %dma_start3A_44 = tpu.memref_slice %arg4[%add3A_40] : memref<327680xi32, #tpu.memory_space<hbm>> -> memref<128xi32, #tpu.memory_space<hbm>>
          %dma_start3A_45 = tpu.memref_slice %arg4[%add3A_40] : memref<327680xi32, #tpu.memory_space<hbm>> -> memref<128xi32, #tpu.memory_space<hbm>>
          tpu.enqueue_dma source(%dma_start3A_45 : memref<128xi32, #tpu.memory_space<hbm>>) target(%arg8 : memref<128xi32, #tpu.memory_space<vmem>>) target_semaphore(%run_scoped3A : memref<!tpu.dma_semaphore, #tpu.memory_space<semaphore_mem>>)
          %dma_wait3A_46 = tpu.memref_slice %arg4[%add3A_40] : memref<327680xi32, #tpu.memory_space<hbm>> -> memref<128xi32, #tpu.memory_space<hbm>>
          %dma_wait3A_47 = tpu.memref_slice %arg4[%add3A_40] : memref<327680xi32, #tpu.memory_space<hbm>> -> memref<128xi32, #tpu.memory_space<hbm>>
          tpu.wait_dma2 semaphore(%run_scoped3A : memref<!tpu.dma_semaphore, #tpu.memory_space<semaphore_mem>>) src(%dma_wait3A_47 : memref<128xi32, #tpu.memory_space<hbm>>) dst(%arg8 : memref<128xi32, #tpu.memory_space<vmem>>)
          tpu.yield
        }) : () -> ()
        %dma_start3A_41 = arith.constant 0 : i32
        %dma_start3A_42 = arith.constant 0 : i32
        %dma_start3A_43 = tpu.memref_slice %arg2[%dma_start3A_41, %dma_start3A_42] : memref<10240x128xf32, #tpu.memory_space<hbm>> -> memref<10240x128xf32, #tpu.memory_space<hbm>>
        tpu.enqueue_indirect_dma source(%dma_start3A_43 : memref<10240x128xf32, #tpu.memory_space<hbm>>) target(%arg11 : memref<128x128xf32, #tpu.memory_space<vmem>>) offsets(%arg7 : memref<128xi32, #tpu.memory_space<vmem>>) semaphore(%arg14 : memref<!tpu.dma_semaphore, #tpu.memory_space<semaphore_mem>>)
      } else {
      }
      %dma_wait3A_33 = arith.constant 0 : i32
      %dma_wait3A_34 = arith.constant 0 : i32
      %dma_wait3A_35 = tpu.memref_slice %arg2[%dma_wait3A_33, %dma_wait3A_34] : memref<10240x128xf32, #tpu.memory_space<hbm>> -> memref<10240x128xf32, #tpu.memory_space<hbm>>
      tpu.wait_indirect_dma semaphore(%arg15 : memref<!tpu.dma_semaphore, #tpu.memory_space<semaphore_mem>>) src(%dma_wait3A_35 : memref<10240x128xf32, #tpu.memory_space<hbm>>) dst(%arg12 : memref<128x128xf32, #tpu.memory_space<vmem>>)
      "tpu.region"() ({
        %run_scoped3A = tpu.sem_alloc : memref<!tpu.dma_semaphore, #tpu.memory_space<semaphore_mem>>
        %dma_start3A_36 = arith.constant 0 : i32
        %dma_start3A_37 = arith.constant 0 : i32
        %dma_start3A_38 = tpu.memref_slice %arg13[%dma_start3A_36, %dma_start3A_37] : memref<10240x128xf32, #tpu.memory_space<vmem_shared>> -> memref<10240x128xf32, #tpu.memory_space<vmem_shared>>
        tpu.enqueue_indirect_dma source(%arg12 : memref<128x128xf32, #tpu.memory_space<vmem>>) target(%dma_start3A_38 : memref<10240x128xf32, #tpu.memory_space<vmem_shared>>) offsets(%arg10 : memref<128xi32, #tpu.memory_space<vmem>>) semaphore(%run_scoped3A : memref<!tpu.dma_semaphore, #tpu.memory_space<semaphore_mem>>) {add = true}
        %dma_wait3A_39 = arith.constant 0 : i32
        %dma_wait3A_40 = arith.constant 0 : i32
        %dma_wait3A_41 = tpu.memref_slice %arg13[%dma_wait3A_39, %dma_wait3A_40] : memref<10240x128xf32, #tpu.memory_space<vmem_shared>> -> memref<10240x128xf32, #tpu.memory_space<vmem_shared>>
        tpu.wait_indirect_dma semaphore(%run_scoped3A : memref<!tpu.dma_semaphore, #tpu.memory_space<semaphore_mem>>) src(%arg12 : memref<128x128xf32, #tpu.memory_space<vmem>>) dst(%dma_wait3A_41 : memref<10240x128xf32, #tpu.memory_space<vmem_shared>>)
        tpu.yield
      }) : () -> ()
    }
    %scan3A_12 = arith.constant 40 : i32
    %barrier3A_13 = arith.constant 0 : index
    tpu.barrier barrier_id(%barrier3A_13)
    "tpu.region"() ({
      %run_scoped3A = tpu.sem_alloc : memref<!tpu.dma_semaphore, #tpu.memory_space<semaphore_mem>>
      %dma_start3A_14 = arith.constant 0 : i32
      %dma_start3A_15 = tpu.memref_slice %arg6[%arg0, %mul3A_2, %dma_start3A_14] : memref<2x10240x128xf32, #tpu.memory_space<hbm>> -> memref<1x640x128xf32, #tpu.memory_space<hbm>>
      %dma_start3A_16 = tpu.memref_squeeze %dma_start3A_15 : memref<1x640x128xf32, #tpu.memory_space<hbm>> -> memref<640x128xf32, #tpu.memory_space<hbm>>
      %dma_start3A_17 = arith.constant 0 : i32
      %dma_start3A_18 = tpu.memref_slice %arg13[%mul3A_2, %dma_start3A_17] : memref<10240x128xf32, #tpu.memory_space<vmem_shared>> -> memref<640x128xf32, #tpu.memory_space<vmem_shared>>
      tpu.enqueue_dma source(%dma_start3A_18 : memref<640x128xf32, #tpu.memory_space<vmem_shared>>) target(%dma_start3A_16 : memref<640x128xf32, #tpu.memory_space<hbm>>) target_semaphore(%run_scoped3A : memref<!tpu.dma_semaphore, #tpu.memory_space<semaphore_mem>>)
      %dma_wait3A = arith.constant 0 : i32
      %dma_wait3A_19 = tpu.memref_slice %arg6[%arg0, %mul3A_2, %dma_wait3A] : memref<2x10240x128xf32, #tpu.memory_space<hbm>> -> memref<1x640x128xf32, #tpu.memory_space<hbm>>
      %dma_wait3A_20 = tpu.memref_squeeze %dma_wait3A_19 : memref<1x640x128xf32, #tpu.memory_space<hbm>> -> memref<640x128xf32, #tpu.memory_space<hbm>>
      %dma_wait3A_21 = arith.constant 0 : i32
      %dma_wait3A_22 = tpu.memref_slice %arg13[%mul3A_2, %dma_wait3A_21] : memref<10240x128xf32, #tpu.memory_space<vmem_shared>> -> memref<640x128xf32, #tpu.memory_space<vmem_shared>>
      tpu.wait_dma2 semaphore(%run_scoped3A : memref<!tpu.dma_semaphore, #tpu.memory_space<semaphore_mem>>) src(%dma_wait3A_22 : memref<640x128xf32, #tpu.memory_space<vmem_shared>>) dst(%dma_wait3A_20 : memref<640x128xf32, #tpu.memory_space<hbm>>)
      tpu.yield
    }) : () -> ()
    return
  }
}

module attributes {stable_mosaic.version = 14 : i64} {
  func.func @_mm_in_body(%arg0: i32, %arg1: memref<2048x128xf32, #tpu.memory_space<vmem>>, %arg2: memref<256x128xf32, #tpu.memory_space<vmem>>, %arg3: memref<1x128xf32, #tpu.memory_space<vmem>>, %arg4: memref<2048x128xf32, #tpu.memory_space<vmem>>, %arg5: memref<2048x128xf32, #tpu.memory_space<vmem>>) attributes {dimension_semantics = [#tpu.dimension_semantics<arbitrary>], iteration_bounds = array<i64: 5>, scalar_prefetch = 0 : i64, scratch_operands = 0 : i64, tpu.core_type = #tpu.core_type<tc>, window_params = [{transform_indices = @transform_0, window_bounds = array<i64: 2048, 128>}, {pipeline_mode = #tpu.pipeline_mode<synchronous>, transform_indices = @transform_1, window_bounds = array<i64: 256, 128>}, {pipeline_mode = #tpu.pipeline_mode<synchronous>, transform_indices = @transform_2, window_bounds = array<i64: 1, 128>}, {transform_indices = @transform_3, window_bounds = array<i64: 2048, 128>}, {transform_indices = @transform_4, window_bounds = array<i64: 2048, 128>}]} {
    %get3A = arith.constant 0 : index
    %get3A_0 = arith.constant 0 : index
    %get3A_1 = vector.load %arg1[%get3A, %get3A_0] : memref<2048x128xf32, #tpu.memory_space<vmem>>, vector<2048x128xf32>
    %get3A_2 = arith.constant 0 : index
    %get3A_3 = arith.constant 0 : index
    %get3A_4 = vector.load %arg2[%get3A_2, %get3A_3] : memref<256x128xf32, #tpu.memory_space<vmem>>, vector<256x128xf32>
    %dot_general3A = arith.constant dense<0.000000e+00> : vector<2048x256xf32>
    %dot_general3A_5 = tpu.matmul %get3A_1, %get3A_4, %dot_general3A {dimension_numbers = #tpu.dot_dimension_numbers<[1], [1], [0], [0], [0, 0, 1, 0], [], []>, transpose_lhs_hint = false} : vector<2048x128xf32>, vector<256x128xf32>, vector<2048x256xf32> -> vector<2048x256xf32>
    %slice3A = vector.extract_strided_slice %dot_general3A_5 {offsets = [0, 0], sizes = [2048, 128], strides = [1, 1]} : vector<2048x256xf32> to vector<2048x128xf32>
    %swap3A = arith.constant 0 : index
    %swap3A_6 = arith.constant 0 : index
    %swap3A_7 = vector.load %arg4[%swap3A, %swap3A_6] : memref<2048x128xf32, #tpu.memory_space<vmem>>, vector<2048x128xf32>
    tpu.vector_store %arg4[%swap3A, %swap3A_6], %slice3A {strides = array<i32>} : memref<2048x128xf32, #tpu.memory_space<vmem>>, vector<2048x128xf32>,
    %slice3A_8 = vector.extract_strided_slice %dot_general3A_5 {offsets = [0, 128], sizes = [2048, 128], strides = [1, 1]} : vector<2048x256xf32> to vector<2048x128xf32>
    %get3A_9 = arith.constant 0 : index
    %get3A_10 = arith.constant 0 : index
    %get3A_11 = vector.load %arg3[%get3A_9, %get3A_10] : memref<1x128xf32, #tpu.memory_space<vmem>>, vector<1x128xf32>
    %add3A = vector.broadcast %get3A_11 : vector<1x128xf32> to vector<2048x128xf32>
    %add3A_12 = arith.addf %slice3A_8, %add3A : vector<2048x128xf32>
    %swap3A_13 = arith.constant 0 : index
    %swap3A_14 = arith.constant 0 : index
    %swap3A_15 = vector.load %arg5[%swap3A_13, %swap3A_14] : memref<2048x128xf32, #tpu.memory_space<vmem>>, vector<2048x128xf32>
    tpu.vector_store %arg5[%swap3A_13, %swap3A_14], %add3A_12 {strides = array<i32>} : memref<2048x128xf32, #tpu.memory_space<vmem>>, vector<2048x128xf32>,
    return
  }
  func.func @transform_0(%arg0: i32) -> (i32, i32) {
    %c0_i32 = arith.constant 0 : i32
    %c0_i32_0 = arith.constant 0 : i32
    return %arg0, %c0_i32 : i32, i32
  }
  func.func @transform_1(%arg0: i32) -> (i32, i32) {
    %c0_i32 = arith.constant 0 : i32
    %c0_i32_0 = arith.constant 0 : i32
    %c0_i32_1 = arith.constant 0 : i32
    return %c0_i32, %c0_i32_0 : i32, i32
  }
  func.func @transform_2(%arg0: i32) -> (i32, i32) {
    %c0_i32 = arith.constant 0 : i32
    %c0_i32_0 = arith.constant 0 : i32
    %c0_i32_1 = arith.constant 0 : i32
    return %c0_i32, %c0_i32_0 : i32, i32
  }
  func.func @transform_3(%arg0: i32) -> (i32, i32) {
    %c0_i32 = arith.constant 0 : i32
    %c0_i32_0 = arith.constant 0 : i32
    return %arg0, %c0_i32 : i32, i32
  }
  func.func @transform_4(%arg0: i32) -> (i32, i32) {
    %c0_i32 = arith.constant 0 : i32
    %c0_i32_0 = arith.constant 0 : i32
    return %arg0, %c0_i32 : i32, i32
  }
}

module attributes {stable_mosaic.version = 14 : i64} {
  func.func @_fuse_body(%arg0: i32, %arg1: memref<2x2048x128xf32, #tpu.memory_space<vmem>>, %arg2: memref<2x2048xf32, #tpu.memory_space<vmem>>, %arg3: memref<2048x128xf32, #tpu.memory_space<vmem>>, %arg4: memref<1x128xf32, #tpu.memory_space<vmem>>, %arg5: memref<1x128xf32, #tpu.memory_space<vmem>>, %arg6: memref<256x128xf32, #tpu.memory_space<vmem>>, %arg7: memref<1x128xf32, #tpu.memory_space<vmem>>, %arg8: memref<2048x128xf32, #tpu.memory_space<vmem>>, %arg9: memref<2048x128xf32, #tpu.memory_space<vmem>>) attributes {dimension_semantics = [#tpu.dimension_semantics<arbitrary>], iteration_bounds = array<i64: 5>, scalar_prefetch = 0 : i64, scratch_operands = 0 : i64, tpu.core_type = #tpu.core_type<tc>, window_params = [{transform_indices = @transform_0, window_bounds = array<i64: 2, 2048, 128>}, {transform_indices = @transform_1, window_bounds = array<i64: 2, 2048>}, {transform_indices = @transform_2, window_bounds = array<i64: 2048, 128>}, {pipeline_mode = #tpu.pipeline_mode<synchronous>, transform_indices = @transform_3, window_bounds = array<i64: 1, 128>}, {pipeline_mode = #tpu.pipeline_mode<synchronous>, transform_indices = @transform_4, window_bounds = array<i64: 1, 128>}, {pipeline_mode = #tpu.pipeline_mode<synchronous>, transform_indices = @transform_5, window_bounds = array<i64: 256, 128>}, {pipeline_mode = #tpu.pipeline_mode<synchronous>, transform_indices = @transform_6, window_bounds = array<i64: 1, 128>}, {transform_indices = @transform_7, window_bounds = array<i64: 2048, 128>}, {transform_indices = @transform_8, window_bounds = array<i64: 2048, 128>}]} {
    %get3A = arith.constant 0 : index
    %get3A_0 = arith.constant 0 : index
    %get3A_1 = arith.constant 0 : index
    %get3A_2 = vector.load %arg1[%get3A, %get3A_0, %get3A_1] : memref<2x2048x128xf32, #tpu.memory_space<vmem>>, vector<1x2048x128xf32>
    %get3A_3 = vector.shape_cast %get3A_2 : vector<1x2048x128xf32> to vector<2048x128xf32>
    %get3A_4 = arith.constant 1 : index
    %get3A_5 = arith.constant 0 : index
    %get3A_6 = arith.constant 0 : index
    %get3A_7 = vector.load %arg1[%get3A_4, %get3A_5, %get3A_6] : memref<2x2048x128xf32, #tpu.memory_space<vmem>>, vector<1x2048x128xf32>
    %get3A_8 = vector.shape_cast %get3A_7 : vector<1x2048x128xf32> to vector<2048x128xf32>
    %add3A = arith.addf %get3A_3, %get3A_8 : vector<2048x128xf32>
    %get3A_9 = arith.constant 0 : index
    %get3A_10 = arith.constant 0 : index
    %get3A_11 = vector.load %arg2[%get3A_9, %get3A_10] : memref<2x2048xf32, #tpu.memory_space<vmem>>, vector<2x2048xf32>
    %reduce_sum3A = arith.constant dense<0.000000e+00> : vector<2048xf32>
    %reduce_sum3A_12 = vector.multi_reduction <add>, %get3A_11, %reduce_sum3A [0] : vector<2x2048xf32> to vector<2048xf32>
    %max3A = arith.constant 1.000000e+00 : f32
    %max3A_13 = vector.broadcast %max3A : f32 to vector<2048xf32>
    %max3A_14 = arith.maximumf %reduce_sum3A_12, %max3A_13 : vector<2048xf32>
    %broadcast_in_dim3A = vector.shape_cast %max3A_14 : vector<2048xf32> to vector<2048x1xf32>
    %div3A = vector.broadcast %broadcast_in_dim3A : vector<2048x1xf32> to vector<2048x128xf32>
    %div3A_15 = arith.divf %add3A, %div3A : vector<2048x128xf32>
    %get3A_16 = arith.constant 0 : index
    %get3A_17 = arith.constant 0 : index
    %get3A_18 = vector.load %arg3[%get3A_16, %get3A_17] : memref<2048x128xf32, #tpu.memory_space<vmem>>, vector<2048x128xf32>
    %add3A_19 = arith.addf %div3A_15, %get3A_18 : vector<2048x128xf32>
    %get3A_20 = arith.constant 0 : index
    %get3A_21 = arith.constant 0 : index
    %get3A_22 = vector.load %arg4[%get3A_20, %get3A_21] : memref<1x128xf32, #tpu.memory_space<vmem>>, vector<1x128xf32>
    %mul3A = arith.constant 0.999994993 : f32
    %mul3A_23 = vector.broadcast %mul3A : f32 to vector<2048x128xf32>
    %mul3A_24 = arith.mulf %add3A_19, %mul3A_23 : vector<2048x128xf32>
    %mul3A_25 = vector.broadcast %get3A_22 : vector<1x128xf32> to vector<2048x128xf32>
    %mul3A_26 = arith.mulf %mul3A_25, %mul3A_24 : vector<2048x128xf32>
    %get3A_27 = arith.constant 0 : index
    %get3A_28 = arith.constant 0 : index
    %get3A_29 = vector.load %arg5[%get3A_27, %get3A_28] : memref<1x128xf32, #tpu.memory_space<vmem>>, vector<1x128xf32>
    %add3A_30 = vector.broadcast %get3A_29 : vector<1x128xf32> to vector<2048x128xf32>
    %add3A_31 = arith.addf %mul3A_26, %add3A_30 : vector<2048x128xf32>
    %max3A_32 = arith.constant 0.000000e+00 : f32
    %max3A_33 = vector.broadcast %max3A_32 : f32 to vector<2048x128xf32>
    %max3A_34 = arith.maximumf %add3A_31, %max3A_33 : vector<2048x128xf32>
    %get3A_35 = arith.constant 0 : index
    %get3A_36 = arith.constant 0 : index
    %get3A_37 = vector.load %arg6[%get3A_35, %get3A_36] : memref<256x128xf32, #tpu.memory_space<vmem>>, vector<256x128xf32>
    %dot_general3A = arith.constant dense<0.000000e+00> : vector<2048x256xf32>
    %dot_general3A_38 = tpu.matmul %max3A_34, %get3A_37, %dot_general3A {dimension_numbers = #tpu.dot_dimension_numbers<[1], [1], [0], [0], [0, 0, 1, 0], [], []>, transpose_lhs_hint = false} : vector<2048x128xf32>, vector<256x128xf32>, vector<2048x256xf32> -> vector<2048x256xf32>
    %slice3A = vector.extract_strided_slice %dot_general3A_38 {offsets = [0, 0], sizes = [2048, 128], strides = [1, 1]} : vector<2048x256xf32> to vector<2048x128xf32>
    %swap3A = arith.constant 0 : index
    %swap3A_39 = arith.constant 0 : index
    %swap3A_40 = vector.load %arg8[%swap3A, %swap3A_39] : memref<2048x128xf32, #tpu.memory_space<vmem>>, vector<2048x128xf32>
    tpu.vector_store %arg8[%swap3A, %swap3A_39], %slice3A {strides = array<i32>} : memref<2048x128xf32, #tpu.memory_space<vmem>>, vector<2048x128xf32>,
    %slice3A_41 = vector.extract_strided_slice %dot_general3A_38 {offsets = [0, 128], sizes = [2048, 128], strides = [1, 1]} : vector<2048x256xf32> to vector<2048x128xf32>
    %get3A_42 = arith.constant 0 : index
    %get3A_43 = arith.constant 0 : index
    %get3A_44 = vector.load %arg7[%get3A_42, %get3A_43] : memref<1x128xf32, #tpu.memory_space<vmem>>, vector<1x128xf32>
    %add3A_45 = vector.broadcast %get3A_44 : vector<1x128xf32> to vector<2048x128xf32>
    %add3A_46 = arith.addf %slice3A_41, %add3A_45 : vector<2048x128xf32>
    %swap3A_47 = arith.constant 0 : index
    %swap3A_48 = arith.constant 0 : index
    %swap3A_49 = vector.load %arg9[%swap3A_47, %swap3A_48] : memref<2048x128xf32, #tpu.memory_space<vmem>>, vector<2048x128xf32>
    tpu.vector_store %arg9[%swap3A_47, %swap3A_48], %add3A_46 {strides = array<i32>} : memref<2048x128xf32, #tpu.memory_space<vmem>>, vector<2048x128xf32>,
    return
  }
  func.func @transform_0(%arg0: i32) -> (i32, i32, i32) {
    %c0_i32 = arith.constant 0 : i32
    %c0_i32_0 = arith.constant 0 : i32
    %c0_i32_1 = arith.constant 0 : i32
    return %c0_i32, %arg0, %c0_i32_0 : i32, i32, i32
  }
  func.func @transform_1(%arg0: i32) -> (i32, i32) {
    %c0_i32 = arith.constant 0 : i32
    %c0_i32_0 = arith.constant 0 : i32
    return %c0_i32, %arg0 : i32, i32
  }
  func.func @transform_2(%arg0: i32) -> (i32, i32) {
    %c0_i32 = arith.constant 0 : i32
    %c0_i32_0 = arith.constant 0 : i32
    return %arg0, %c0_i32 : i32, i32
  }
  func.func @transform_3(%arg0: i32) -> (i32, i32) {
    %c0_i32 = arith.constant 0 : i32
    %c0_i32_0 = arith.constant 0 : i32
    %c0_i32_1 = arith.constant 0 : i32
    return %c0_i32, %c0_i32_0 : i32, i32
  }
  func.func @transform_4(%arg0: i32) -> (i32, i32) {
    %c0_i32 = arith.constant 0 : i32
    %c0_i32_0 = arith.constant 0 : i32
    %c0_i32_1 = arith.constant 0 : i32
    return %c0_i32, %c0_i32_0 : i32, i32
  }
  func.func @transform_5(%arg0: i32) -> (i32, i32) {
    %c0_i32 = arith.constant 0 : i32
    %c0_i32_0 = arith.constant 0 : i32
    %c0_i32_1 = arith.constant 0 : i32
    return %c0_i32, %c0_i32_0 : i32, i32
  }
  func.func @transform_6(%arg0: i32) -> (i32, i32) {
    %c0_i32 = arith.constant 0 : i32
    %c0_i32_0 = arith.constant 0 : i32
    %c0_i32_1 = arith.constant 0 : i32
    return %c0_i32, %c0_i32_0 : i32, i32
  }
  func.func @transform_7(%arg0: i32) -> (i32, i32) {
    %c0_i32 = arith.constant 0 : i32
    %c0_i32_0 = arith.constant 0 : i32
    return %arg0, %c0_i32 : i32, i32
  }
  func.func @transform_8(%arg0: i32) -> (i32, i32) {
    %c0_i32 = arith.constant 0 : i32
    %c0_i32_0 = arith.constant 0 : i32
    return %arg0, %c0_i32 : i32, i32
  }
}

module attributes {stable_mosaic.version = 14 : i64} {
  func.func @_head_body(%arg0: i32, %arg1: memref<2x2048x128xf32, #tpu.memory_space<vmem>>, %arg2: memref<2x2048xf32, #tpu.memory_space<vmem>>, %arg3: memref<2048x128xf32, #tpu.memory_space<vmem>>, %arg4: memref<1x128xf32, #tpu.memory_space<vmem>>, %arg5: memref<1x128xf32, #tpu.memory_space<vmem>>, %arg6: memref<128x128xf32, #tpu.memory_space<vmem>>, %arg7: memref<1x128xf32, #tpu.memory_space<vmem>>, %arg8: memref<2048x128xf32, #tpu.memory_space<vmem>>) attributes {dimension_semantics = [#tpu.dimension_semantics<arbitrary>], iteration_bounds = array<i64: 5>, scalar_prefetch = 0 : i64, scratch_operands = 0 : i64, tpu.core_type = #tpu.core_type<tc>, window_params = [{transform_indices = @transform_0, window_bounds = array<i64: 2, 2048, 128>}, {transform_indices = @transform_1, window_bounds = array<i64: 2, 2048>}, {transform_indices = @transform_2, window_bounds = array<i64: 2048, 128>}, {pipeline_mode = #tpu.pipeline_mode<synchronous>, transform_indices = @transform_3, window_bounds = array<i64: 1, 128>}, {pipeline_mode = #tpu.pipeline_mode<synchronous>, transform_indices = @transform_4, window_bounds = array<i64: 1, 128>}, {pipeline_mode = #tpu.pipeline_mode<synchronous>, transform_indices = @transform_5, window_bounds = array<i64: 128, 128>}, {pipeline_mode = #tpu.pipeline_mode<synchronous>, transform_indices = @transform_6, window_bounds = array<i64: 1, 128>}, {transform_indices = @transform_7, window_bounds = array<i64: 2048, 128>}]} {
    %get3A = arith.constant 0 : index
    %get3A_0 = arith.constant 0 : index
    %get3A_1 = arith.constant 0 : index
    %get3A_2 = vector.load %arg1[%get3A, %get3A_0, %get3A_1] : memref<2x2048x128xf32, #tpu.memory_space<vmem>>, vector<1x2048x128xf32>
    %get3A_3 = vector.shape_cast %get3A_2 : vector<1x2048x128xf32> to vector<2048x128xf32>
    %get3A_4 = arith.constant 1 : index
    %get3A_5 = arith.constant 0 : index
    %get3A_6 = arith.constant 0 : index
    %get3A_7 = vector.load %arg1[%get3A_4, %get3A_5, %get3A_6] : memref<2x2048x128xf32, #tpu.memory_space<vmem>>, vector<1x2048x128xf32>
    %get3A_8 = vector.shape_cast %get3A_7 : vector<1x2048x128xf32> to vector<2048x128xf32>
    %add3A = arith.addf %get3A_3, %get3A_8 : vector<2048x128xf32>
    %get3A_9 = arith.constant 0 : index
    %get3A_10 = arith.constant 0 : index
    %get3A_11 = vector.load %arg2[%get3A_9, %get3A_10] : memref<2x2048xf32, #tpu.memory_space<vmem>>, vector<2x2048xf32>
    %reduce_sum3A = arith.constant dense<0.000000e+00> : vector<2048xf32>
    %reduce_sum3A_12 = vector.multi_reduction <add>, %get3A_11, %reduce_sum3A [0] : vector<2x2048xf32> to vector<2048xf32>
    %max3A = arith.constant 1.000000e+00 : f32
    %max3A_13 = vector.broadcast %max3A : f32 to vector<2048xf32>
    %max3A_14 = arith.maximumf %reduce_sum3A_12, %max3A_13 : vector<2048xf32>
    %broadcast_in_dim3A = vector.shape_cast %max3A_14 : vector<2048xf32> to vector<2048x1xf32>
    %div3A = vector.broadcast %broadcast_in_dim3A : vector<2048x1xf32> to vector<2048x128xf32>
    %div3A_15 = arith.divf %add3A, %div3A : vector<2048x128xf32>
    %get3A_16 = arith.constant 0 : index
    %get3A_17 = arith.constant 0 : index
    %get3A_18 = vector.load %arg3[%get3A_16, %get3A_17] : memref<2048x128xf32, #tpu.memory_space<vmem>>, vector<2048x128xf32>
    %add3A_19 = arith.addf %div3A_15, %get3A_18 : vector<2048x128xf32>
    %get3A_20 = arith.constant 0 : index
    %get3A_21 = arith.constant 0 : index
    %get3A_22 = vector.load %arg4[%get3A_20, %get3A_21] : memref<1x128xf32, #tpu.memory_space<vmem>>, vector<1x128xf32>
    %mul3A = arith.constant 0.999994993 : f32
    %mul3A_23 = vector.broadcast %mul3A : f32 to vector<2048x128xf32>
    %mul3A_24 = arith.mulf %add3A_19, %mul3A_23 : vector<2048x128xf32>
    %mul3A_25 = vector.broadcast %get3A_22 : vector<1x128xf32> to vector<2048x128xf32>
    %mul3A_26 = arith.mulf %mul3A_25, %mul3A_24 : vector<2048x128xf32>
    %get3A_27 = arith.constant 0 : index
    %get3A_28 = arith.constant 0 : index
    %get3A_29 = vector.load %arg5[%get3A_27, %get3A_28] : memref<1x128xf32, #tpu.memory_space<vmem>>, vector<1x128xf32>
    %add3A_30 = vector.broadcast %get3A_29 : vector<1x128xf32> to vector<2048x128xf32>
    %add3A_31 = arith.addf %mul3A_26, %add3A_30 : vector<2048x128xf32>
    %max3A_32 = arith.constant 0.000000e+00 : f32
    %max3A_33 = vector.broadcast %max3A_32 : f32 to vector<2048x128xf32>
    %max3A_34 = arith.maximumf %add3A_31, %max3A_33 : vector<2048x128xf32>
    %get3A_35 = arith.constant 0 : index
    %get3A_36 = arith.constant 0 : index
    %get3A_37 = vector.load %arg6[%get3A_35, %get3A_36] : memref<128x128xf32, #tpu.memory_space<vmem>>, vector<128x128xf32>
    %dot_general3A = arith.constant dense<0.000000e+00> : vector<2048x128xf32>
    %dot_general3A_38 = tpu.matmul %max3A_34, %get3A_37, %dot_general3A {dimension_numbers = #tpu.dot_dimension_numbers<[1], [1], [0], [0], [0, 0, 1, 0], [], []>, transpose_lhs_hint = false} : vector<2048x128xf32>, vector<128x128xf32>, vector<2048x128xf32> -> vector<2048x128xf32>
    %get3A_39 = arith.constant 0 : index
    %get3A_40 = arith.constant 0 : index
    %get3A_41 = vector.load %arg7[%get3A_39, %get3A_40] : memref<1x128xf32, #tpu.memory_space<vmem>>, vector<1x128xf32>
    %add3A_42 = vector.broadcast %get3A_41 : vector<1x128xf32> to vector<2048x128xf32>
    %add3A_43 = arith.addf %dot_general3A_38, %add3A_42 : vector<2048x128xf32>
    %swap3A = arith.constant 0 : index
    %swap3A_44 = arith.constant 0 : index
    %swap3A_45 = vector.load %arg8[%swap3A, %swap3A_44] : memref<2048x128xf32, #tpu.memory_space<vmem>>, vector<2048x128xf32>
    tpu.vector_store %arg8[%swap3A, %swap3A_44], %add3A_43 {strides = array<i32>} : memref<2048x128xf32, #tpu.memory_space<vmem>>, vector<2048x128xf32>,
    return
  }
  func.func @transform_0(%arg0: i32) -> (i32, i32, i32) {
    %c0_i32 = arith.constant 0 : i32
    %c0_i32_0 = arith.constant 0 : i32
    %c0_i32_1 = arith.constant 0 : i32
    return %c0_i32, %arg0, %c0_i32_0 : i32, i32, i32
  }
  func.func @transform_1(%arg0: i32) -> (i32, i32) {
    %c0_i32 = arith.constant 0 : i32
    %c0_i32_0 = arith.constant 0 : i32
    return %c0_i32, %arg0 : i32, i32
  }
  func.func @transform_2(%arg0: i32) -> (i32, i32) {
    %c0_i32 = arith.constant 0 : i32
    %c0_i32_0 = arith.constant 0 : i32
    return %arg0, %c0_i32 : i32, i32
  }
  func.func @transform_3(%arg0: i32) -> (i32, i32) {
    %c0_i32 = arith.constant 0 : i32
    %c0_i32_0 = arith.constant 0 : i32
    %c0_i32_1 = arith.constant 0 : i32
    return %c0_i32, %c0_i32_0 : i32, i32
  }
  func.func @transform_4(%arg0: i32) -> (i32, i32) {
    %c0_i32 = arith.constant 0 : i32
    %c0_i32_0 = arith.constant 0 : i32
    %c0_i32_1 = arith.constant 0 : i32
    return %c0_i32, %c0_i32_0 : i32, i32
  }
  func.func @transform_5(%arg0: i32) -> (i32, i32) {
    %c0_i32 = arith.constant 0 : i32
    %c0_i32_0 = arith.constant 0 : i32
    %c0_i32_1 = arith.constant 0 : i32
    return %c0_i32, %c0_i32_0 : i32, i32
  }
  func.func @transform_6(%arg0: i32) -> (i32, i32) {
    %c0_i32 = arith.constant 0 : i32
    %c0_i32_0 = arith.constant 0 : i32
    %c0_i32_1 = arith.constant 0 : i32
    return %c0_i32, %c0_i32_0 : i32, i32
  }
  func.func @transform_7(%arg0: i32) -> (i32, i32) {
    %c0_i32 = arith.constant 0 : i32
    %c0_i32_0 = arith.constant 0 : i32
    return %arg0, %c0_i32 : i32, i32
  }
}

</mosaic_0001>

<sc_bundles>
// kernel: kernel.12.cloned.1.call-start
scs
__scs_entry_jumppad:
0x0: {  	(pc) =	sbr.rel $0x88, $3  }
0x1: {  	(tag) =	ssettag $0x0;
	lr =	simm.s32 $0x1  }
0x2: {  	[smem:$0x3F8E] =	sst lr;
	_ =	strace $0xD0000000  }
0x3: {  	_ = 	snop  }
0x4: {  	_ = 	snop  }
0x5: {  	_ = 	snop  }
0x6: {  	_ = 	snop  }
0x7: {  	_ = 	snop  }
__scs_overlays_trampoline_lowered:
0x8: {  	[smem:$0x3F9D] =	sst s0  }
0x9: {  	[smem:$0x3F9E] =	sst s1  }
0xa: {  	[smem:$0x3F9F] =	sst s2  }
0xb: {  	[smem:$0x3FA0] =	sst s3  }
0xc: {  	[smem:$0x3FA1] =	sst s4  }
0xd: {  	[smem:$0x3FA2] =	sst s5  }
0xe: {  	[smem:$0x3FA3] =	sst s6  }
0xf: {  	[smem:$0x3FA4] =	sst s7  }
0x10: {  	[smem:$0x3FA5] =	sst s8  }
0x11: {  	[smem:$0x3FA6] =	sst s9;
	s0 =	simm.s32 @!p0 $0x0  }
0x12: {  	s1 =	sld [smem:$0x3F8C];
	s0 =	simm.s32 @p0 $0x1  }
0x13: {  	[smem:$0x3FA7] =	sst s0;
	s0 =	simm.s32 @!p1 $0x0  }
0x14: {  	s2 =	sld [smem:$0x3F8B];
	s0 =	simm.s32 @p1 $0x1  }
0x15: {  	[smem:$0x3FA8] =	sst s0;
	s0 =	simm.s32 @!p2 $0x0  }
0x16: {  	s3 =	sld [smem:$0x3FDB];
	s0 =	simm.s32 @p2 $0x1  }
0x17: {  	s4 =	simm.s32 $0x1BF5;
	[smem:$0x3FAA] =	sst s0  }
0x18: {  	s0 =	sld [smem:$0x3F8D];
	_ =	swait.ge [sflag:s4], $0x0  }
0x19: {  	s7 =	sld [smem:$0x3F8E]  }
0x1a: {  	s8 =	sadd.s32 $0xFFFFE003, lr  }
0x1b: {  	s9 =	sadd.s32 $0xFFFFFEF7, lr;
	s5 =	simm.s32 $0xFFFFFFFF;
	p2 =	slt.u32 s8, $0xFFFFF086  }
0x1c: {  	p1 =	slt.u32 s9, $0xF7A;
	s5 =	simm.s32 @!p2 $0x0  }
0x1d: {  	s5 =	simm.s32 @p1 $0x1;
	p0 =	seq.s32 s7, s2  }
0x1e: {  	s7 =	smul.u32 @!p0 $0xF7A, s2;
	p2 =	seq.s32 @!p0 s5, $0x0  }
0x1f: {  	s9 =	smul.u32 $0xF7A, s1;
	s8 =	simm.s32 @!p0 $0x1BF5;
	p2 =	por !p2, p0  }
0x20: {  	[sflag:s8] =	ssyncset.s32 @!p0 $0xFFFFF086;
	s6 =	sadd.s32 @!p0 s3, s7;
	s7 =	simm.s32 @!p0 $0x108  }
0x21: {  	s3 =	sadd.s32 s3, s9;
	s6 =	sadd.s32 @!p0 $0x88, s6;
	s7 =	simm.s32 @p2 $0x1082  }
0x22: {  	[simem:s7], [sflag:s8] =	dma.local @!p0 [hbm:s6], $0xF7A  }
0x23: {  	s9 =	sor.u32 $0xD0000000, s2;
	s6 =	simm.s32 $0x108;
	_ =	swait.ge @!p0 [sflag:s8], $0x0  }
0x24: {  	s3 =	sadd.s32 $0x88, s3;
	s6 =	simm.s32 @!p1 $0x1082;
	[sflag:s4] =	ssyncset.s32 $0xFFFFF086  }
0x25: {  	[simem:s6], [sflag:s4] =	dma.local [hbm:s3], $0xF7A  }
0x26: {  	[smem:$0x3F8E] =	sst s1;
	(tag) =	ssettag s2;
	_ =	strace s9  }
0x27: {  	s1 =	sld [smem:$0x3F9E]  }
0x28: {  	s2 =	sld [smem:$0x3F9F]  }
0x29: {  	s4 =	sld [smem:$0x3FA1]  }
0x2a: {  	p0 =	seq.s32 s5, $0x0;
	s5 =	sld [smem:$0x3FA2]  }
0x2b: {  	s6 =	sld [smem:$0x3FA3]  }
0x2c: {  	s7 =	sld [smem:$0x3FA4]  }
0x2d: {  	s3 =	simm.s32 $0x108;
	s8 =	sld [smem:$0x3FA5]  }
0x2e: {  	s3 =	simm.s32 @!p0 $0x1082;
	s9 =	sld [smem:$0x3FA6]  }
0x2f: {  	lr =	sadd.s32 s0, s3;
	s0 =	sld [smem:$0x3F9D]  }
0x30: {  	s3 =	sld [smem:$0x3FA0]  }
0x31: {  	[smem:$0x3FA9] =	sst s10  }
0x32: {  	s10 =	sld [smem:$0x3FA7];
	_ =	sdelay $0x3  }
0x33: {  	p0 =	seq.s32 s10, $0x1;
	s10 =	sld [smem:$0x3FA9];
	_ =	sdelay $0x3  }
0x34: {  	[smem:$0x3FA9] =	sst s10  }
0x35: {  	s10 =	sld [smem:$0x3FA8];
	_ =	sdelay $0x3  }
0x36: {  	p1 =	seq.s32 s10, $0x1;
	s10 =	sld [smem:$0x3FA9];
	_ =	sdelay $0x3  }
0x37: {  	[smem:$0x3FA9] =	sst s10  }
0x38: {  	s10 =	sld [smem:$0x3FAA]  }
0x39: {  	_ = 	snop;
	(pc) =	sbr.ind lr, $3  }
0x3a: {  	_ = 	snop  }
0x3b: {  	_ = 	snop  }
0x3c: {  	p2 =	seq.s32 s10, $0x1;
	s10 =	sld [smem:$0x3FA9]  }
0x3d: {  	_ =	shalt  }
0x3e: {  	_ =	shalt  }
0x3f: {  	_ =	shalt  }
0x40: {  	_ =	shalt  }
0x41: {  	_ =	shalt  }
0x42: {  	_ =	shalt  }
0x43: {  	_ =	shalt  }
0x44: {  	_ =	shalt  }
0x45: {  	_ =	shalt  }
0x46: {  	_ =	shalt  }
0x47: {  	_ =	shalt  }
0x48: {  	_ =	shalt  }
0x49: {  	_ =	shalt  }
0x4a: {  	_ =	shalt  }
0x4b: {  	_ =	shalt  }
0x4c: {  	_ =	shalt  }
0x4d: {  	_ =	shalt  }
0x4e: {  	_ =	shalt  }
0x4f: {  	_ =	shalt  }
0x50: {  	_ =	shalt  }
0x51: {  	_ =	shalt  }
0x52: {  	_ =	shalt  }
0x53: {  	_ =	shalt  }
0x54: {  	_ =	shalt  }
0x55: {  	_ =	shalt  }
0x56: {  	_ =	shalt  }
0x57: {  	_ =	shalt  }
0x58: {  	_ =	shalt  }
0x59: {  	_ =	shalt  }
0x5a: {  	_ =	shalt  }
0x5b: {  	_ =	shalt  }
0x5c: {  	_ =	shalt  }
0x5d: {  	_ =	shalt  }
0x5e: {  	_ =	shalt  }
0x5f: {  	_ =	shalt  }
0x60: {  	_ =	shalt  }
0x61: {  	_ =	shalt  }
0x62: {  	_ =	shalt  }
0x63: {  	_ =	shalt  }
0x64: {  	_ =	shalt  }
0x65: {  	_ =	shalt  }
0x66: {  	_ =	shalt  }
0x67: {  	_ =	shalt  }
0x68: {  	_ =	shalt  }
0x69: {  	_ =	shalt  }
0x6a: {  	_ =	shalt  }
0x6b: {  	_ =	shalt  }
0x6c: {  	_ =	shalt  }
0x6d: {  	_ =	shalt  }
0x6e: {  	_ =	shalt  }
0x6f: {  	_ =	shalt  }
0x70: {  	_ =	shalt  }
0x71: {  	_ =	shalt  }
0x72: {  	_ =	shalt  }
0x73: {  	_ =	shalt  }
0x74: {  	_ =	shalt  }
0x75: {  	_ =	shalt  }
0x76: {  	_ =	shalt  }
0x77: {  	_ =	shalt  }
0x78: {  	_ =	shalt  }
0x79: {  	_ =	shalt  }
0x7a: {  	_ =	shalt  }
0x7b: {  	_ =	shalt  }
0x7c: {  	_ =	shalt  }
0x7d: {  	_ =	shalt  }
0x7e: {  	_ =	shalt  }
0x7f: {  	_ =	shalt  }
0x80: {  	_ =	shalt  }
0x81: {  	_ =	shalt  }
0x82: {  	_ =	shalt  }
0x83: {  	_ =	shalt  }
0x84: {  	_ =	shalt  }
0x85: {  	_ =	shalt  }
0x86: {  	_ =	shalt  }
0x87: {  	_ =	shalt  }
.Lfunc_end0:
.L_simem_size_0:
called_computation.1_lowered:
.L_overlay_start_0:
0x88: {  	s2 =	sld [smem:$0x3FD9]  }
0x89: {  	s3 =	sld [smem:$0x3FFE];
	_ =	sdelay $0x1  }
0x8a: {  	s1 =	srdreg.scid  }
0x8b: {  	s0 =	sand.u32 $0x1, s1  }
0x8c: {  	s17 =	sshll.u32 s0, $0xA;
	s2 =	sadd.s32 s3, s2  }
0x8d: {  	s2 =	sadd.s32 s2, s17  }
0x8e: {  	[smem:$0x3FB5] =	sst s2  }
0x8f: {  	_ = 	snop  }
0x90: {  	s2 =	sld [smem:$0x3FD0];
	(tm) =	ssettm $0x1  }
0x91: {  	s18 =	sld [smem:$0x3FFB];
	_ =	sdelay $0x3  }
0x92: {  	_ =	strace s18  }
0x93: {  	s3 =	sld [smem:$0x3FFC];
	_ =	sdelay $0x3  }
0x94: {  	_ =	strace s3  }
0x95: {  	s3 =	sld [smem:$0x3FFD];
	_ =	sdelay $0x3  }
0x96: {  	_ =	strace s3  }
0x97: {  	_ =	strace $0x8FFFFFFF  }
0x98: {  	s19 =	sld [smem:$0x3FDB];
	_ =	sdelay $0x1  }
0x99: {  	s4 =	simm.s32 $_scs_section_size  }
0x9a: {  	s5 =	simm.s32 $_size__tile_overlayer_lowered;
	s6 =	simm.s32 $_tile_overlayer_lowered  }
0x9b: {  	s22 =	simm.s32 $0x1BFF;
	s21 =	sshll.u32 s6, $0x1;
	s3 =	sadd.s32 s4, s19  }
0x9c: {  	s7 =	simm.s32 $0x0;
	s20 =	sshll.u32 s5, $0x1;
	s5 =	sadd.s32 s21, s3  }
0x9d: {  	[timem:s7], [sflag:s22] =	dma.local [hbm:s5], s20  }
0x9e: {  	_ =	swait.ge [sflag:s22], s20  }
0x9f: {  	s4 =	ssub.s32 $0x0, s20;
	[sflag:s22] =	ssyncset.done $0x0  }
0xa0: {  	[sflag:s22] =	ssyncadd.s32 s4;
	_ =	sdelay $0x1  }
0xa1: {  	s23 =	simm.s32 $0x1B8B  }
0xa2: {  	_ =	swait.ge [sflag:s23], $0x1  }
0xa3: {  	[sflag:s23] =	ssyncset.done $0x0  }
0xa4: {  	s25 =	simm.s32 $0x1B8E;
	s24 =	sld [smem:$0x3FFE];
	[sflag:s23] =	ssyncadd.s32 $0xFFFFFFFF  }
0xa5: {  	s26 =	simm.s32 $execute0_lowered;
	[smem:$0x3FD2] =	sst s25  }
0xa6: {  	s5 =	sshll.u32 s26, $0x1;
	_ =	strace $0x80000049;
	[dreg:$0x1] =	wrdreg $0xFFFFFFFF  }
0xa7: {  	s28 =	simm.s32 $_size_execute0_lowered;
	s3 =	sadd.s32 s3, s5;
	[dreg:$0x0] =	wrdreg $0x0  }
0xa8: {  	s5 =	sshll.u32 s28, $0x1;
	[dreg:$0x2] =	wrdreg s3  }
0xa9: {  	[dreg:$0x3] =	wrdreg s5  }
0xaa: {  	[dreg:$0x4] =	wrdreg $0xC0  }
0xab: {  	_ =	task [dreg:s7], $0x5FFFF  }
0xac: {  	[dreg:$0x1] =	wrdreg $0xFFFFFFFF  }
0xad: {  	[dreg:$0x0] =	wrdreg $0x60  }
0xae: {  	[dreg:$0x2] =	wrdreg s24  }
0xaf: {  	[dreg:$0x3] =	wrdreg s2  }
0xb0: {  	[dreg:$0x4] =	wrdreg $0x82000  }
0xb1: {  	[dreg:$0x5] =	wrdreg $0x9  }
0xb2: {  	_ =	task.clear_ibuf [dreg:s7], $0x6FFFF;
	_ =	strace $0x90000049  }
0xb3: {  	s29 =	simm.s32 $0x9;
	_ =	strace $0x8000004B  }
0xb4: {  	_ =	swait.ge [sflag:s29], $0x1  }
0xb5: {  	[sflag:s29] =	ssyncadd.s32 $0xFFFFFFFF  }
0xb6: {  	_ =	strace $0x9000004B  }
0xb7: {  	_ =	sfence  }
0xb8: {  	s30 =	sld [smem:$0x0];
	_ =	sdelay $0x2  }
0xb9: {  	s31 =	sshll.u32 s1, $0xD;
	s1 =	sshrl.u32 s1, $0x2  }
0xba: {  	s3 =	sand.u32 $0x4000, s31;
	s1 =	sadd.s32 s1, s30  }
0xbb: {  	s0 =	sor.u32 s3, s0;
	s1 =	sshll.u32 s1, $0x11  }
0xbc: {  	s0 =	sor.u32 s1, s0  }
0xbd: {  	s0 =	sadd.s32 $0x8F2B, s0  }
0xbe: {  	[sflag:s0] =	ssyncadd.remote.s32 $0x1  }
0xbf: {  	_ =	sfence.sel $0xFFFF  }
0xc0: {  	[dreg:$0x0] =	wrdreg $0xFFFFFFFF;
	(pc) =	sbr.abs _section_cstart, $3  }
0xc1: {  	[dreg:$0x1] =	wrdreg $0xFFFFFFFF  }
0xc2: {  	_ =	task.clear_ibuf [dreg:s7], $0x2FFFF;
	_ =	strace $0x9FFFFFFF  }
0xc3: {  	(tm) =	ssettm $0x7FFFFFFF  }
tec
execute0_lowered:
.L_overlay_start_1:
0x0: {  	(tag) =	ssettag $0x1  }
0x1: {  	s5 =	rddreg [dreg:$0x0]  }
0x2: {  	s16 =	rddreg [dreg:$0x1]  }
0x3: {  	s2 =	rddreg [dreg:$0x2]  }
0x4: {  	s1 =	stileid.u32;
	s4 =	srdreg.scid  }
0x5: {  	s3 =	simm.s32 $0x0;
	s19 =	simm.s32 $0x80;
	s20 =	simm.s32 $0x200  }
0x6: {  	s6 =	smul.u32 $0x14000, s1;
	s7 =	sand.u32 $0x1, s4;
	[smem:$0x7FF] =	sst s3  }
0x7: {  	s4 =	sadd.s32 $0x3E00, s5;
	s15 =	sadd.s32 $0x2BE00, s5;
	s10 =	smul.u32 $0x50000, s1  }
0x8: {  	s11 =	sshll.u32 s1, $0x1;
	s28 =	smul.u32 $0x5000, s1;
	s29 =	sshll.u32 s1, $0x6  }
0x9: {  	s8 =	smul.u32 $0x140000, s7;
	_ =	strace $0x8000004A;
	s22 =	ssub.s32 $0x2, s7  }
0xa: {  	s24 =	sor.u32 s7, s11;
	s14 =	smul.u32 $0x2800, s7;
	s9 =	sshrl.u32 s6, $0x3  }
0xb: {  	s23 =	sshrl.u32 s22, $0x1;
	s26 =	sshrl.u32 s10, $0x2;
	s6 =	sadd.s32 s6, s8  }
0xc: {  	s21 =	sadd.s32 s9, s5;
	s25 =	ssub.s32 s22, s23;
	s17 =	sadd.s32 s26, s2  }
0xd: {  	s31 =	sadd.s32 s14, s28;
	s22 =	simm.s32 $0x180;
	s23 =	simm.s32 $0x4200  }
0xe: {  	s26 =	simm.s32 $0x0;
	s6 =	sshrl.u32 s6, $0x3;
	s10 =	smax.u32 s25, $0x1  }
0xf: {  	s14 =	sor.u32 $0x100, s31;
	s18 =	sor.u32 $0x80, s31;
	s17 =	sshrl.u32 s17, $0x3  }
0x10: {  	s25 =	simm.s32 $0x2;
	s12 =	sadd.s32 s6, s5;
	s6 =	smul.u32 $0x2800, s24  }
0x11: {  	s5 =	sadd.s32 $0x35E00, s21;
	s14 =	sshrl.u32 s14, $0x3;
	s18 =	sshrl.u32 s18, $0x3  }
0x12: {  	s21 =	simm.s32 $0x100;
	s24 =	simm.s32 $0x1;
	s13 =	sshrl.u32 s6, $0x3  }
0x13: {  	s9 =	sadd.s32 $0x5DE00, s12;
	s6 =	sor.u32 $0x1C03, s29;
	s7 =	sadd.s32 s16, s13  }
0x14: {  	s8 =	sadd.s32 s15, s13;
	s30 =	sadd.s32 $0x4F0, s13;
	s13 =	sadd.s32 s14, s15  }
0x15: {  	s14 =	sadd.s32 s14, s16;
	s11 =	sadd.s32 s16, s30;
	s12 =	sadd.s32 s15, s30  }
0x16: {  	s15 =	sadd.s32 s18, s15;
	s16 =	sadd.s32 s18, s16;
	s18 =	simm.s32 $0x3  }
.LBB2_1:
0x17: {  	[spmem:s17], [sflag:s6] =	dma.local [hbm:s5], $0x2800  }
0x18: {  	_ =	swait.ge [sflag:s18], $0x2800  }
0x19: {  	[sflag:s18] =	ssyncset.done $0x0  }
0x1a: {  	[sflag:s18] =	ssyncadd.s32 $0xFFFFD800  }
0x1b: {  	[bflag:$0x0] =	sbarrier.arrive $0xFFFF  }
0x1c: {  	[tilespmem:s3], [sflag:$0x3] =	stream.linear.gather [hbm4b:s7+s3], $0x80, $0x38;
	[tilespmem:$0x1C200] =	vst v63  }
0x1d: {  	_ =	swait.ge [sflag:s18], $0x80  }
0x1e: {  	[sflag:s18] =	ssyncset.done $0x0  }
0x1f: {  	[sflag:s18] =	ssyncadd.s32 $0xFFFFFF80  }
0x20: {  	[tilespmem:s19], [sflag:$0x3] =	stream.linear.gather [hbm4b:s8+s3], $0x80, $0x38;
	[tilespmem:$0x1C200] =	vst v63  }
0x21: {  	_ =	swait.ge [sflag:s18], $0x80  }
0x22: {  	[sflag:s18] =	ssyncset.done $0x0  }
0x23: {  	[sflag:s18] =	ssyncadd.s32 $0xFFFFFF80  }
0x24: {  	[tilespmem:s20], [sflag:$0x1] =	stream.indirect.gather [hbm4b:s4+s19], $0x80, s3, s19, $0xb8;
	[tilespmem:$0x1C200] =	vst v63  }
0x25: {  	s28 =	sadd.s32 $0x0, s16  }
0x26: {  	[tilespmem:s21], [sflag:$0x3] =	stream.linear.gather [hbm4b:s28+s3], $0x80, $0x38;
	[tilespmem:$0x1C200] =	vst v63  }
0x27: {  	_ =	swait.ge [sflag:s18], $0x80  }
0x28: {  	[sflag:s18] =	ssyncset.done $0x0  }
0x29: {  	s28 =	sadd.s32 $0x0, s15;
	[sflag:s18] =	ssyncadd.s32 $0xFFFFFF80  }
0x2a: {  	[tilespmem:s22], [sflag:$0x3] =	stream.linear.gather [hbm4b:s28+s3], $0x80, $0x38;
	[tilespmem:$0x1C200] =	vst v63  }
0x2b: {  	_ =	swait.ge [sflag:s18], $0x80  }
0x2c: {  	[sflag:s18] =	ssyncset.done $0x0  }
0x2d: {  	[sflag:s18] =	ssyncadd.s32 $0xFFFFFF80  }
0x2e: {  	[tilespmem:s23], [sflag:$0x2] =	stream.indirect.gather [hbm4b:s4+s19], $0x80, s21, s19, $0xb8;
	[tilespmem:$0x1C200] =	vst v63  }
0x2f: {  	_ =	swait.ge [sflag:s24], $0x4000  }
0x30: {  	[sflag:s24] =	ssyncset.done $0x0  }
0x31: {  	[sflag:s24] =	ssyncadd.s32 $0xFFFFC000  }
0x32: {  	[spmem:s2] =	stream.indirect.scatter.add.f32 [tilespmem:s20], [sflag:$0x3], $0x80, s19, s19, $0xb8;
	[tilespmem:$0x1C200] =	vst v63  }
0x33: {  	_ =	swait.ge [sflag:s18], $0x4000  }
0x34: {  	[sflag:s18] =	ssyncset.done $0x0  }
0x35: {  	s28 =	sadd.s32 $0x0, s14;
	[sflag:s18] =	ssyncadd.s32 $0xFFFFC000  }
0x36: {  	[tilespmem:s3], [sflag:$0x3] =	stream.linear.gather [hbm4b:s28+s3], $0x80, $0x38;
	[tilespmem:$0x1C200] =	vst v63  }
0x37: {  	_ =	swait.ge [sflag:s18], $0x80  }
0x38: {  	[sflag:s18] =	ssyncset.done $0x0  }
0x39: {  	s28 =	sadd.s32 $0x0, s13;
	[sflag:s18] =	ssyncadd.s32 $0xFFFFFF80  }
0x3a: {  	[tilespmem:s19], [sflag:$0x3] =	stream.linear.gather [hbm4b:s28+s3], $0x80, $0x38;
	[tilespmem:$0x1C200] =	vst v63  }
0x3b: {  	_ =	swait.ge [sflag:s18], $0x80  }
0x3c: {  	[sflag:s18] =	ssyncset.done $0x0  }
0x3d: {  	[sflag:s18] =	ssyncadd.s32 $0xFFFFFF80  }
0x3e: {  	[tilespmem:s20], [sflag:$0x1] =	stream.indirect.gather [hbm4b:s4+s19], $0x80, s3, s19, $0xb8;
	[tilespmem:$0x1C200] =	vst v63  }
0x3f: {  	_ =	swait.ge [sflag:s25], $0x4000  }
0x40: {  	[sflag:s25] =	ssyncset.done $0x0  }
0x41: {  	[sflag:s25] =	ssyncadd.s32 $0xFFFFC000  }
0x42: {  	[spmem:s2] =	stream.indirect.scatter.add.f32 [tilespmem:s23], [sflag:$0x3], $0x80, s22, s19, $0xb8;
	[tilespmem:$0x1C200] =	vst v63  }
0x43: {  	_ =	swait.ge [sflag:s18], $0x4000  }
0x44: {  	s30 =	simm.s32 $0x40;
	s28 =	simm.s32 $0x20;
	[sflag:s18] =	ssyncset.done $0x0  }
.LBB2_2:
0x45: {  	s31 =	sadd.s32 s28, s16  }
0x46: {  	[sflag:s18] =	ssyncadd.s32 $0xFFFFC000;
	s0 =	smov.u32 s30;
	s29 =	sadd.s32 $0x20, s30  }
0x47: {  	[tilespmem:s21], [sflag:$0x3] =	stream.linear.gather [hbm4b:s31+s3], $0x80, $0x38;
	[tilespmem:$0x1C200] =	vst v63  }
0x48: {  	p0 =	sne.s32 s30, $0x4C0;
	_ =	swait.ge [sflag:s18], $0x80  }
0x49: {  	[sflag:s18] =	ssyncset.done $0x0  }
0x4a: {  	s30 =	sadd.s32 s28, s15;
	[sflag:s18] =	ssyncadd.s32 $0xFFFFFF80  }
0x4b: {  	[tilespmem:s22], [sflag:$0x3] =	stream.linear.gather [hbm4b:s30+s3], $0x80, $0x38;
	[tilespmem:$0x1C200] =	vst v63  }
0x4c: {  	_ =	swait.ge [sflag:s18], $0x80  }
0x4d: {  	[sflag:s18] =	ssyncset.done $0x0  }
0x4e: {  	[sflag:s18] =	ssyncadd.s32 $0xFFFFFF80  }
0x4f: {  	[tilespmem:s23], [sflag:$0x2] =	stream.indirect.gather [hbm4b:s4+s19], $0x80, s21, s19, $0xb8;
	[tilespmem:$0x1C200] =	vst v63  }
0x50: {  	_ =	swait.ge [sflag:s24], $0x4000  }
0x51: {  	[sflag:s24] =	ssyncset.done $0x0  }
0x52: {  	[sflag:s24] =	ssyncadd.s32 $0xFFFFC000  }
0x53: {  	[spmem:s2] =	stream.indirect.scatter.add.f32 [tilespmem:s20], [sflag:$0x3], $0x80, s19, s19, $0xb8;
	[tilespmem:$0x1C200] =	vst v63  }
0x54: {  	_ =	swait.ge [sflag:s18], $0x4000  }
0x55: {  	[sflag:s18] =	ssyncset.done $0x0  }
0x56: {  	s30 =	sadd.s32 s28, s14;
	[sflag:s18] =	ssyncadd.s32 $0xFFFFC000  }
0x57: {  	[tilespmem:s3], [sflag:$0x3] =	stream.linear.gather [hbm4b:s30+s3], $0x80, $0x38;
	[tilespmem:$0x1C200] =	vst v63  }
0x58: {  	_ =	swait.ge [sflag:s18], $0x80  }
0x59: {  	[sflag:s18] =	ssyncset.done $0x0  }
0x5a: {  	s30 =	sadd.s32 s28, s13;
	s28 =	smov.u32 s0;
	[sflag:s18] =	ssyncadd.s32 $0xFFFFFF80  }
0x5b: {  	[tilespmem:s19], [sflag:$0x3] =	stream.linear.gather [hbm4b:s30+s3], $0x80, $0x38;
	[tilespmem:$0x1C200] =	vst v63  }
0x5c: {  	_ =	swait.ge [sflag:s18], $0x80  }
0x5d: {  	[sflag:s18] =	ssyncset.done $0x0  }
0x5e: {  	[sflag:s18] =	ssyncadd.s32 $0xFFFFFF80  }
0x5f: {  	[tilespmem:s20], [sflag:$0x1] =	stream.indirect.gather [hbm4b:s4+s19], $0x80, s3, s19, $0xb8;
	[tilespmem:$0x1C200] =	vst v63  }
0x60: {  	_ =	swait.ge [sflag:s25], $0x4000  }
.Ltmp0:
0x61: {  	[sflag:s25] =	ssyncset.done $0x0;
	(pc) =	sbr.rel @p0 .LBB2_2-.Ltmp0, $4  }
0x62: {  	[sflag:s25] =	ssyncadd.s32 $0xFFFFC000  }
0x63: {  	[spmem:s2] =	stream.indirect.scatter.add.f32 [tilespmem:s23], [sflag:$0x3], $0x80, s22, s19, $0xb8;
	[tilespmem:$0x1C200] =	vst v63  }
0x64: {  	_ =	swait.ge [sflag:s18], $0x4000  }
0x65: {  	s30 =	smov.u32 s29;
	[sflag:s18] =	ssyncset.done $0x0  }
0x66: {  	s0 =	sadd.s32 s28, s16;
	[sflag:s18] =	ssyncadd.s32 $0xFFFFC000  }
0x67: {  	[tilespmem:s21], [sflag:$0x3] =	stream.linear.gather [hbm4b:s0+s3], $0x80, $0x38;
	[tilespmem:$0x1C200] =	vst v63  }
0x68: {  	_ =	swait.ge [sflag:s18], $0x80  }
0x69: {  	[sflag:s18] =	ssyncset.done $0x0  }
0x6a: {  	s29 =	sadd.s32 s28, s15;
	[sflag:s18] =	ssyncadd.s32 $0xFFFFFF80  }
0x6b: {  	[tilespmem:s22], [sflag:$0x3] =	stream.linear.gather [hbm4b:s29+s3], $0x80, $0x38;
	[tilespmem:$0x1C200] =	vst v63  }
0x6c: {  	_ =	swait.ge [sflag:s18], $0x80  }
0x6d: {  	[sflag:s18] =	ssyncset.done $0x0  }
0x6e: {  	[sflag:s18] =	ssyncadd.s32 $0xFFFFFF80  }
0x6f: {  	[tilespmem:s23], [sflag:$0x2] =	stream.indirect.gather [hbm4b:s4+s19], $0x80, s21, s19, $0xb8;
	[tilespmem:$0x1C200] =	vst v63  }
0x70: {  	_ =	swait.ge [sflag:s24], $0x4000  }
0x71: {  	[sflag:s24] =	ssyncset.done $0x0  }
0x72: {  	[sflag:s24] =	ssyncadd.s32 $0xFFFFC000  }
0x73: {  	[spmem:s2] =	stream.indirect.scatter.add.f32 [tilespmem:s20], [sflag:$0x3], $0x80, s19, s19, $0xb8;
	[tilespmem:$0x1C200] =	vst v63  }
0x74: {  	_ =	swait.ge [sflag:s18], $0x4000  }
0x75: {  	[sflag:s18] =	ssyncset.done $0x0  }
0x76: {  	s30 =	sadd.s32 s28, s14;
	[sflag:s18] =	ssyncadd.s32 $0xFFFFC000  }
0x77: {  	[tilespmem:s3], [sflag:$0x3] =	stream.linear.gather [hbm4b:s30+s3], $0x80, $0x38;
	[tilespmem:$0x1C200] =	vst v63  }
0x78: {  	_ =	swait.ge [sflag:s18], $0x80  }
0x79: {  	[sflag:s18] =	ssyncset.done $0x0  }
0x7a: {  	s31 =	sadd.s32 s28, s13;
	[sflag:s18] =	ssyncadd.s32 $0xFFFFFF80  }
0x7b: {  	[tilespmem:s19], [sflag:$0x3] =	stream.linear.gather [hbm4b:s31+s3], $0x80, $0x38;
	[tilespmem:$0x1C200] =	vst v63  }
0x7c: {  	_ =	swait.ge [sflag:s18], $0x80  }
0x7d: {  	[sflag:s18] =	ssyncset.done $0x0  }
0x7e: {  	[sflag:s18] =	ssyncadd.s32 $0xFFFFFF80  }
0x7f: {  	[tilespmem:s20], [sflag:$0x1] =	stream.indirect.gather [hbm4b:s4+s19], $0x80, s3, s19, $0xb8;
	[tilespmem:$0x1C200] =	vst v63  }
0x80: {  	_ =	swait.ge [sflag:s25], $0x4000  }
0x81: {  	[sflag:s25] =	ssyncset.done $0x0  }
0x82: {  	[sflag:s25] =	ssyncadd.s32 $0xFFFFC000  }
0x83: {  	[spmem:s2] =	stream.indirect.scatter.add.f32 [tilespmem:s23], [sflag:$0x3], $0x80, s22, s19, $0xb8;
	[tilespmem:$0x1C200] =	vst v63  }
0x84: {  	_ =	swait.ge [sflag:s18], $0x4000  }
0x85: {  	[sflag:s18] =	ssyncset.done $0x0  }
0x86: {  	[sflag:s18] =	ssyncadd.s32 $0xFFFFC000  }
0x87: {  	[tilespmem:s21], [sflag:$0x3] =	stream.linear.gather [hbm4b:s11+s3], $0x80, $0x38;
	[tilespmem:$0x1C200] =	vst v63  }
0x88: {  	_ =	swait.ge [sflag:s18], $0x80  }
0x89: {  	[sflag:s18] =	ssyncset.done $0x0  }
0x8a: {  	[sflag:s18] =	ssyncadd.s32 $0xFFFFFF80  }
0x8b: {  	[tilespmem:s22], [sflag:$0x3] =	stream.linear.gather [hbm4b:s12+s3], $0x80, $0x38;
	[tilespmem:$0x1C200] =	vst v63  }
0x8c: {  	_ =	swait.ge [sflag:s18], $0x80  }
0x8d: {  	[sflag:s18] =	ssyncset.done $0x0  }
0x8e: {  	[sflag:s18] =	ssyncadd.s32 $0xFFFFFF80  }
0x8f: {  	[tilespmem:s23], [sflag:$0x2] =	stream.indirect.gather [hbm4b:s4+s19], $0x80, s21, s19, $0xb8;
	[tilespmem:$0x1C200] =	vst v63  }
0x90: {  	_ =	swait.ge [sflag:s24], $0x4000  }
0x91: {  	[sflag:s24] =	ssyncset.done $0x0  }
0x92: {  	[sflag:s24] =	ssyncadd.s32 $0xFFFFC000  }
0x93: {  	[spmem:s2] =	stream.indirect.scatter.add.f32 [tilespmem:s20], [sflag:$0x3], $0x80, s19, s19, $0xb8;
	[tilespmem:$0x1C200] =	vst v63  }
0x94: {  	_ =	swait.ge [sflag:s18], $0x4000  }
0x95: {  	[sflag:s18] =	ssyncset.done $0x0  }
0x96: {  	[sflag:s18] =	ssyncadd.s32 $0xFFFFC000  }
0x97: {  	_ =	swait.ge [sflag:s25], $0x4000  }
0x98: {  	[sflag:s25] =	ssyncset.done $0x0  }
0x99: {  	[sflag:s25] =	ssyncadd.s32 $0xFFFFC000  }
0x9a: {  	[spmem:s2] =	stream.indirect.scatter.add.f32 [tilespmem:s23], [sflag:$0x3], $0x80, s22, s19, $0xb8;
	[tilespmem:$0x1C200] =	vst v63  }
0x9b: {  	_ =	swait.ge [sflag:s18], $0x4000  }
0x9c: {  	s26 =	sadd.s32 $0x1, s26;
	[sflag:s18] =	ssyncset.done $0x0  }
0x9d: {  	p0 =	sne.s32 s26, s10;
	[sflag:s18] =	ssyncadd.s32 $0xFFFFC000  }
.Ltmp1:
0x9e: {  	[bflag:$0x0] =	sbarrier.arrive $0xFFFF;
	(pc) =	sbr.rel @p0 .LBB2_1-.Ltmp1, $4  }
0x9f: {  	[hbm:s9], [sflag:s6] =	dma.local [spmem:s17], $0x2800  }
0xa0: {  	_ =	swait.ge [sflag:s18], $0x2800  }
0xa1: {  	[sflag:s18] =	ssyncset.done $0x0  }
0xa2: {  	[sflag:s18] =	ssyncadd.s32 $0xFFFFD800  }
0xa3: {  	_ =	sfence.sel $0x180000  }
0xa4: {  	[bflag:$0x0] =	sbarrier.arrive $0xFFFF  }
0xa5: {  	_ =	strace $0x9000004A  }
0xa6: {  	[bflag:$0x2] =	sbarrier.arrive $0xFFFF  }
0xa7: {  	p0 =	sne.s32 s1, $0x0;
	s0 =	rddreg [dreg:$0x3]  }
0xa8: {  	s0 =	sadd.s32 @!p0 $0x100000, s0  }
0xa9: {  	[sflag:s0] =	ssyncadd.tile.s32 @!p0 $0x1;
	_ =	shalt  }
.Lfunc_end2:
_tile_overlayer_lowered:
.L_overlay_start_2:
0xaa: {  	(tag) =	ssettag $0x2  }
0xab: {  	s0 =	rddreg [dreg:$0x0];
	s2 =	stileid.u32  }
0xac: {  	s1 =	rddreg [dreg:$0x1];
	p0 =	sne.s32 s2, $0x0  }
0xad: {  	s3 =	rddreg [dreg:$0x2];
	[bflag:$0x3] =	sbarrier.arrive $0xFFFF;
	s2 =	simm.s32 @!p0 $0x1C03  }
0xae: {  	[timem:s3], [sflag:s2] =	dma.local @!p0 [hbm:s0], s1  }
0xaf: {  	s0 =	simm.s32 @!p0 $0x3  }
0xb0: {  	_ =	swait.ge @!p0 [sflag:s0], s1  }
0xb1: {  	s1 =	ssub.s32 @!p0 $0x0, s1;
	[sflag:s0] =	ssyncset.done @!p0 $0x0  }
0xb2: {  	[sflag:s0] =	ssyncadd.s32 @!p0 s1  }
0xb3: {  	[bflag:$0x3] =	sbarrier.arrive $0xFFFF  }
0xb4: {  	_ =	shalt  }

// kernel: kernel.15.cloned.1.call-start
scs
__scs_entry_jumppad:
0x0: {  	(pc) =	sbr.rel $0x88, $3  }
0x1: {  	(tag) =	ssettag $0x0;
	lr =	simm.s32 $0x1  }
0x2: {  	[smem:$0x3F8E] =	sst lr;
	_ =	strace $0xD0000000  }
0x3: {  	_ = 	snop  }
0x4: {  	_ = 	snop  }
0x5: {  	_ = 	snop  }
0x6: {  	_ = 	snop  }
0x7: {  	_ = 	snop  }
__scs_overlays_trampoline_lowered:
0x8: {  	[smem:$0x3F9D] =	sst s0  }
0x9: {  	[smem:$0x3F9E] =	sst s1  }
0xa: {  	[smem:$0x3F9F] =	sst s2  }
0xb: {  	[smem:$0x3FA0] =	sst s3  }
0xc: {  	[smem:$0x3FA1] =	sst s4  }
0xd: {  	[smem:$0x3FA2] =	sst s5  }
0xe: {  	[smem:$0x3FA3] =	sst s6  }
0xf: {  	[smem:$0x3FA4] =	sst s7  }
0x10: {  	[smem:$0x3FA5] =	sst s8  }
0x11: {  	[smem:$0x3FA6] =	sst s9;
	s0 =	simm.s32 @!p0 $0x0  }
0x12: {  	s1 =	sld [smem:$0x3F8C];
	s0 =	simm.s32 @p0 $0x1  }
0x13: {  	[smem:$0x3FA7] =	sst s0;
	s0 =	simm.s32 @!p1 $0x0  }
0x14: {  	s2 =	sld [smem:$0x3F8B];
	s0 =	simm.s32 @p1 $0x1  }
0x15: {  	[smem:$0x3FA8] =	sst s0;
	s0 =	simm.s32 @!p2 $0x0  }
0x16: {  	s3 =	sld [smem:$0x3FDB];
	s0 =	simm.s32 @p2 $0x1  }
0x17: {  	s4 =	simm.s32 $0x1BF5;
	[smem:$0x3FAA] =	sst s0  }
0x18: {  	s0 =	sld [smem:$0x3F8D];
	_ =	swait.ge [sflag:s4], $0x0  }
0x19: {  	s7 =	sld [smem:$0x3F8E]  }
0x1a: {  	s8 =	sadd.s32 $0xFFFFE003, lr  }
0x1b: {  	s9 =	sadd.s32 $0xFFFFFEF7, lr;
	s5 =	simm.s32 $0xFFFFFFFF;
	p2 =	slt.u32 s8, $0xFFFFF086  }
0x1c: {  	p1 =	slt.u32 s9, $0xF7A;
	s5 =	simm.s32 @!p2 $0x0  }
0x1d: {  	s5 =	simm.s32 @p1 $0x1;
	p0 =	seq.s32 s7, s2  }
0x1e: {  	s7 =	smul.u32 @!p0 $0xF7A, s2;
	p2 =	seq.s32 @!p0 s5, $0x0  }
0x1f: {  	s9 =	smul.u32 $0xF7A, s1;
	s8 =	simm.s32 @!p0 $0x1BF5;
	p2 =	por !p2, p0  }
0x20: {  	[sflag:s8] =	ssyncset.s32 @!p0 $0xFFFFF086;
	s6 =	sadd.s32 @!p0 s3, s7;
	s7 =	simm.s32 @!p0 $0x108  }
0x21: {  	s3 =	sadd.s32 s3, s9;
	s6 =	sadd.s32 @!p0 $0x88, s6;
	s7 =	simm.s32 @p2 $0x1082  }
0x22: {  	[simem:s7], [sflag:s8] =	dma.local @!p0 [hbm:s6], $0xF7A  }
0x23: {  	s9 =	sor.u32 $0xD0000000, s2;
	s6 =	simm.s32 $0x108;
	_ =	swait.ge @!p0 [sflag:s8], $0x0  }
0x24: {  	s3 =	sadd.s32 $0x88, s3;
	s6 =	simm.s32 @!p1 $0x1082;
	[sflag:s4] =	ssyncset.s32 $0xFFFFF086  }
0x25: {  	[simem:s6], [sflag:s4] =	dma.local [hbm:s3], $0xF7A  }
0x26: {  	[smem:$0x3F8E] =	sst s1;
	(tag) =	ssettag s2;
	_ =	strace s9  }
0x27: {  	s1 =	sld [smem:$0x3F9E]  }
0x28: {  	s2 =	sld [smem:$0x3F9F]  }
0x29: {  	s4 =	sld [smem:$0x3FA1]  }
0x2a: {  	p0 =	seq.s32 s5, $0x0;
	s5 =	sld [smem:$0x3FA2]  }
0x2b: {  	s6 =	sld [smem:$0x3FA3]  }
0x2c: {  	s7 =	sld [smem:$0x3FA4]  }
0x2d: {  	s3 =	simm.s32 $0x108;
	s8 =	sld [smem:$0x3FA5]  }
0x2e: {  	s3 =	simm.s32 @!p0 $0x1082;
	s9 =	sld [smem:$0x3FA6]  }
0x2f: {  	lr =	sadd.s32 s0, s3;
	s0 =	sld [smem:$0x3F9D]  }
0x30: {  	s3 =	sld [smem:$0x3FA0]  }
0x31: {  	[smem:$0x3FA9] =	sst s10  }
0x32: {  	s10 =	sld [smem:$0x3FA7];
	_ =	sdelay $0x3  }
0x33: {  	p0 =	seq.s32 s10, $0x1;
	s10 =	sld [smem:$0x3FA9];
	_ =	sdelay $0x3  }
0x34: {  	[smem:$0x3FA9] =	sst s10  }
0x35: {  	s10 =	sld [smem:$0x3FA8];
	_ =	sdelay $0x3  }
0x36: {  	p1 =	seq.s32 s10, $0x1;
	s10 =	sld [smem:$0x3FA9];
	_ =	sdelay $0x3  }
0x37: {  	[smem:$0x3FA9] =	sst s10  }
0x38: {  	s10 =	sld [smem:$0x3FAA]  }
0x39: {  	_ = 	snop;
	(pc) =	sbr.ind lr, $3  }
0x3a: {  	_ = 	snop  }
0x3b: {  	_ = 	snop  }
0x3c: {  	p2 =	seq.s32 s10, $0x1;
	s10 =	sld [smem:$0x3FA9]  }
0x3d: {  	_ =	shalt  }
0x3e: {  	_ =	shalt  }
0x3f: {  	_ =	shalt  }
0x40: {  	_ =	shalt  }
0x41: {  	_ =	shalt  }
0x42: {  	_ =	shalt  }
0x43: {  	_ =	shalt  }
0x44: {  	_ =	shalt  }
0x45: {  	_ =	shalt  }
0x46: {  	_ =	shalt  }
0x47: {  	_ =	shalt  }
0x48: {  	_ =	shalt  }
0x49: {  	_ =	shalt  }
0x4a: {  	_ =	shalt  }
0x4b: {  	_ =	shalt  }
0x4c: {  	_ =	shalt  }
0x4d: {  	_ =	shalt  }
0x4e: {  	_ =	shalt  }
0x4f: {  	_ =	shalt  }
0x50: {  	_ =	shalt  }
0x51: {  	_ =	shalt  }
0x52: {  	_ =	shalt  }
0x53: {  	_ =	shalt  }
0x54: {  	_ =	shalt  }
0x55: {  	_ =	shalt  }
0x56: {  	_ =	shalt  }
0x57: {  	_ =	shalt  }
0x58: {  	_ =	shalt  }
0x59: {  	_ =	shalt  }
0x5a: {  	_ =	shalt  }
0x5b: {  	_ =	shalt  }
0x5c: {  	_ =	shalt  }
0x5d: {  	_ =	shalt  }
0x5e: {  	_ =	shalt  }
0x5f: {  	_ =	shalt  }
0x60: {  	_ =	shalt  }
0x61: {  	_ =	shalt  }
0x62: {  	_ =	shalt  }
0x63: {  	_ =	shalt  }
0x64: {  	_ =	shalt  }
0x65: {  	_ =	shalt  }
0x66: {  	_ =	shalt  }
0x67: {  	_ =	shalt  }
0x68: {  	_ =	shalt  }
0x69: {  	_ =	shalt  }
0x6a: {  	_ =	shalt  }
0x6b: {  	_ =	shalt  }
0x6c: {  	_ =	shalt  }
0x6d: {  	_ =	shalt  }
0x6e: {  	_ =	shalt  }
0x6f: {  	_ =	shalt  }
0x70: {  	_ =	shalt  }
0x71: {  	_ =	shalt  }
0x72: {  	_ =	shalt  }
0x73: {  	_ =	shalt  }
0x74: {  	_ =	shalt  }
0x75: {  	_ =	shalt  }
0x76: {  	_ =	shalt  }
0x77: {  	_ =	shalt  }
0x78: {  	_ =	shalt  }
0x79: {  	_ =	shalt  }
0x7a: {  	_ =	shalt  }
0x7b: {  	_ =	shalt  }
0x7c: {  	_ =	shalt  }
0x7d: {  	_ =	shalt  }
0x7e: {  	_ =	shalt  }
0x7f: {  	_ =	shalt  }
0x80: {  	_ =	shalt  }
0x81: {  	_ =	shalt  }
0x82: {  	_ =	shalt  }
0x83: {  	_ =	shalt  }
0x84: {  	_ =	shalt  }
0x85: {  	_ =	shalt  }
0x86: {  	_ =	shalt  }
0x87: {  	_ =	shalt  }
.Lfunc_end0:
.L_simem_size_0:
called_computation.2_lowered:
.L_overlay_start_0:
0x88: {  	s2 =	sld [smem:$0x3FD9]  }
0x89: {  	s3 =	sld [smem:$0x3FFE];
	_ =	sdelay $0x1  }
0x8a: {  	s1 =	srdreg.scid  }
0x8b: {  	s0 =	sand.u32 $0x1, s1  }
0x8c: {  	s17 =	sshll.u32 s0, $0xA;
	s2 =	sadd.s32 s3, s2  }
0x8d: {  	s2 =	sadd.s32 s2, s17  }
0x8e: {  	[smem:$0x3FB5] =	sst s2  }
0x8f: {  	_ = 	snop  }
0x90: {  	s2 =	sld [smem:$0x3FD0];
	(tm) =	ssettm $0x1  }
0x91: {  	s18 =	sld [smem:$0x3FFB];
	_ =	sdelay $0x3  }
0x92: {  	_ =	strace s18  }
0x93: {  	s3 =	sld [smem:$0x3FFC];
	_ =	sdelay $0x3  }
0x94: {  	_ =	strace s3  }
0x95: {  	s3 =	sld [smem:$0x3FFD];
	_ =	sdelay $0x3  }
0x96: {  	_ =	strace s3  }
0x97: {  	_ =	strace $0x8FFFFFFF  }
0x98: {  	s19 =	sld [smem:$0x3FDB];
	_ =	sdelay $0x1  }
0x99: {  	s4 =	simm.s32 $_scs_section_size  }
0x9a: {  	s5 =	simm.s32 $_size__tile_overlayer_lowered;
	s6 =	simm.s32 $_tile_overlayer_lowered  }
0x9b: {  	s22 =	simm.s32 $0x1BFF;
	s21 =	sshll.u32 s6, $0x1;
	s3 =	sadd.s32 s4, s19  }
0x9c: {  	s7 =	simm.s32 $0x0;
	s20 =	sshll.u32 s5, $0x1;
	s5 =	sadd.s32 s21, s3  }
0x9d: {  	[timem:s7], [sflag:s22] =	dma.local [hbm:s5], s20  }
0x9e: {  	_ =	swait.ge [sflag:s22], s20  }
0x9f: {  	s4 =	ssub.s32 $0x0, s20;
	[sflag:s22] =	ssyncset.done $0x0  }
0xa0: {  	[sflag:s22] =	ssyncadd.s32 s4;
	_ =	sdelay $0x1  }
0xa1: {  	s23 =	simm.s32 $0x1B8B  }
0xa2: {  	_ =	swait.ge [sflag:s23], $0x1  }
0xa3: {  	[sflag:s23] =	ssyncset.done $0x0  }
0xa4: {  	s25 =	simm.s32 $0x1B8E;
	s24 =	sld [smem:$0x3FFE];
	[sflag:s23] =	ssyncadd.s32 $0xFFFFFFFF  }
0xa5: {  	s26 =	simm.s32 $execute0_lowered;
	[smem:$0x3FD2] =	sst s25  }
0xa6: {  	s5 =	sshll.u32 s26, $0x1;
	_ =	strace $0x8000004C;
	[dreg:$0x1] =	wrdreg $0xFFFFFFFF  }
0xa7: {  	s28 =	simm.s32 $_size_execute0_lowered;
	s3 =	sadd.s32 s3, s5;
	[dreg:$0x0] =	wrdreg $0x0  }
0xa8: {  	s5 =	sshll.u32 s28, $0x1;
	[dreg:$0x2] =	wrdreg s3  }
0xa9: {  	[dreg:$0x3] =	wrdreg s5  }
0xaa: {  	[dreg:$0x4] =	wrdreg $0xC0  }
0xab: {  	_ =	task [dreg:s7], $0x5FFFF  }
0xac: {  	[dreg:$0x1] =	wrdreg $0xFFFFFFFF  }
0xad: {  	[dreg:$0x0] =	wrdreg $0x60  }
0xae: {  	[dreg:$0x2] =	wrdreg s24  }
0xaf: {  	[dreg:$0x3] =	wrdreg s2  }
0xb0: {  	[dreg:$0x4] =	wrdreg $0x82000  }
0xb1: {  	[dreg:$0x5] =	wrdreg $0x9  }
0xb2: {  	_ =	task.clear_ibuf [dreg:s7], $0x6FFFF;
	_ =	strace $0x9000004C  }
0xb3: {  	s29 =	simm.s32 $0x9;
	_ =	strace $0x8000004E  }
0xb4: {  	_ =	swait.ge [sflag:s29], $0x1  }
0xb5: {  	[sflag:s29] =	ssyncadd.s32 $0xFFFFFFFF  }
0xb6: {  	_ =	strace $0x9000004E  }
0xb7: {  	_ =	sfence  }
0xb8: {  	s30 =	sld [smem:$0x0];
	_ =	sdelay $0x2  }
0xb9: {  	s31 =	sshll.u32 s1, $0xD;
	s1 =	sshrl.u32 s1, $0x2  }
0xba: {  	s3 =	sand.u32 $0x4000, s31;
	s1 =	sadd.s32 s1, s30  }
0xbb: {  	s0 =	sor.u32 s3, s0;
	s1 =	sshll.u32 s1, $0x11  }
0xbc: {  	s0 =	sor.u32 s1, s0  }
0xbd: {  	s0 =	sadd.s32 $0x8F2B, s0  }
0xbe: {  	[sflag:s0] =	ssyncadd.remote.s32 $0x1  }
0xbf: {  	_ =	sfence.sel $0xFFFF  }
0xc0: {  	[dreg:$0x0] =	wrdreg $0xFFFFFFFF;
	(pc) =	sbr.abs _section_cstart, $3  }
0xc1: {  	[dreg:$0x1] =	wrdreg $0xFFFFFFFF  }
0xc2: {  	_ =	task.clear_ibuf [dreg:s7], $0x2FFFF;
	_ =	strace $0x9FFFFFFF  }
0xc3: {  	(tm) =	ssettm $0x7FFFFFFF  }
tec
execute0_lowered:
.L_overlay_start_1:
0x0: {  	(tag) =	ssettag $0x1  }
0x1: {  	s5 =	rddreg [dreg:$0x0]  }
0x2: {  	s16 =	rddreg [dreg:$0x1]  }
0x3: {  	s2 =	rddreg [dreg:$0x2]  }
0x4: {  	s1 =	stileid.u32;
	s4 =	srdreg.scid  }
0x5: {  	s3 =	simm.s32 $0x0;
	s19 =	simm.s32 $0x80;
	s20 =	simm.s32 $0x200  }
0x6: {  	s6 =	smul.u32 $0x14000, s1;
	s7 =	sand.u32 $0x1, s4;
	[smem:$0x7FF] =	sst s3  }
0x7: {  	s4 =	sadd.s32 $0x3E00, s5;
	s15 =	sadd.s32 $0x2BE00, s5;
	s10 =	smul.u32 $0x50000, s1  }
0x8: {  	s11 =	sshll.u32 s1, $0x1;
	s28 =	smul.u32 $0x5000, s1;
	s29 =	sshll.u32 s1, $0x6  }
0x9: {  	s8 =	smul.u32 $0x140000, s7;
	_ =	strace $0x8000004D;
	s22 =	ssub.s32 $0x2, s7  }
0xa: {  	s24 =	sor.u32 s7, s11;
	s14 =	smul.u32 $0x2800, s7;
	s9 =	sshrl.u32 s6, $0x3  }
0xb: {  	s23 =	sshrl.u32 s22, $0x1;
	s26 =	sshrl.u32 s10, $0x2;
	s6 =	sadd.s32 s6, s8  }
0xc: {  	s21 =	sadd.s32 s9, s5;
	s25 =	ssub.s32 s22, s23;
	s17 =	sadd.s32 s26, s2  }
0xd: {  	s31 =	sadd.s32 s14, s28;
	s22 =	simm.s32 $0x180;
	s23 =	simm.s32 $0x4200  }
0xe: {  	s26 =	simm.s32 $0x0;
	s6 =	sshrl.u32 s6, $0x3;
	s10 =	smax.u32 s25, $0x1  }
0xf: {  	s14 =	sor.u32 $0x100, s31;
	s18 =	sor.u32 $0x80, s31;
	s17 =	sshrl.u32 s17, $0x3  }
0x10: {  	s25 =	simm.s32 $0x2;
	s12 =	sadd.s32 s6, s5;
	s6 =	smul.u32 $0x2800, s24  }
0x11: {  	s5 =	sadd.s32 $0x35E00, s21;
	s14 =	sshrl.u32 s14, $0x3;
	s18 =	sshrl.u32 s18, $0x3  }
0x12: {  	s21 =	simm.s32 $0x100;
	s24 =	simm.s32 $0x1;
	s13 =	sshrl.u32 s6, $0x3  }
0x13: {  	s9 =	sadd.s32 $0x5DE00, s12;
	s6 =	sor.u32 $0x1C03, s29;
	s7 =	sadd.s32 s16, s13  }
0x14: {  	s8 =	sadd.s32 s15, s13;
	s30 =	sadd.s32 $0x4F0, s13;
	s13 =	sadd.s32 s14, s15  }
0x15: {  	s14 =	sadd.s32 s14, s16;
	s11 =	sadd.s32 s16, s30;
	s12 =	sadd.s32 s15, s30  }
0x16: {  	s15 =	sadd.s32 s18, s15;
	s16 =	sadd.s32 s18, s16;
	s18 =	simm.s32 $0x3  }
.LBB2_1:
0x17: {  	[spmem:s17], [sflag:s6] =	dma.local [hbm:s5], $0x2800  }
0x18: {  	_ =	swait.ge [sflag:s18], $0x2800  }
0x19: {  	[sflag:s18] =	ssyncset.done $0x0  }
0x1a: {  	[sflag:s18] =	ssyncadd.s32 $0xFFFFD800  }
0x1b: {  	[bflag:$0x0] =	sbarrier.arrive $0xFFFF  }
0x1c: {  	[tilespmem:s3], [sflag:$0x3] =	stream.linear.gather [hbm4b:s7+s3], $0x80, $0x38;
	[tilespmem:$0x1C200] =	vst v63  }
0x1d: {  	_ =	swait.ge [sflag:s18], $0x80  }
0x1e: {  	[sflag:s18] =	ssyncset.done $0x0  }
0x1f: {  	[sflag:s18] =	ssyncadd.s32 $0xFFFFFF80  }
0x20: {  	[tilespmem:s19], [sflag:$0x3] =	stream.linear.gather [hbm4b:s8+s3], $0x80, $0x38;
	[tilespmem:$0x1C200] =	vst v63  }
0x21: {  	_ =	swait.ge [sflag:s18], $0x80  }
0x22: {  	[sflag:s18] =	ssyncset.done $0x0  }
0x23: {  	[sflag:s18] =	ssyncadd.s32 $0xFFFFFF80  }
0x24: {  	[tilespmem:s20], [sflag:$0x1] =	stream.indirect.gather [hbm4b:s4+s19], $0x80, s3, s19, $0xb8;
	[tilespmem:$0x1C200] =	vst v63  }
0x25: {  	s28 =	sadd.s32 $0x0, s16  }
0x26: {  	[tilespmem:s21], [sflag:$0x3] =	stream.linear.gather [hbm4b:s28+s3], $0x80, $0x38;
	[tilespmem:$0x1C200] =	vst v63  }
0x27: {  	_ =	swait.ge [sflag:s18], $0x80  }
0x28: {  	[sflag:s18] =	ssyncset.done $0x0  }
0x29: {  	s28 =	sadd.s32 $0x0, s15;
	[sflag:s18] =	ssyncadd.s32 $0xFFFFFF80  }
0x2a: {  	[tilespmem:s22], [sflag:$0x3] =	stream.linear.gather [hbm4b:s28+s3], $0x80, $0x38;
	[tilespmem:$0x1C200] =	vst v63  }
0x2b: {  	_ =	swait.ge [sflag:s18], $0x80  }
0x2c: {  	[sflag:s18] =	ssyncset.done $0x0  }
0x2d: {  	[sflag:s18] =	ssyncadd.s32 $0xFFFFFF80  }
0x2e: {  	[tilespmem:s23], [sflag:$0x2] =	stream.indirect.gather [hbm4b:s4+s19], $0x80, s21, s19, $0xb8;
	[tilespmem:$0x1C200] =	vst v63  }
0x2f: {  	_ =	swait.ge [sflag:s24], $0x4000  }
0x30: {  	[sflag:s24] =	ssyncset.done $0x0  }
0x31: {  	[sflag:s24] =	ssyncadd.s32 $0xFFFFC000  }
0x32: {  	[spmem:s2] =	stream.indirect.scatter.add.f32 [tilespmem:s20], [sflag:$0x3], $0x80, s19, s19, $0xb8;
	[tilespmem:$0x1C200] =	vst v63  }
0x33: {  	_ =	swait.ge [sflag:s18], $0x4000  }
0x34: {  	[sflag:s18] =	ssyncset.done $0x0  }
0x35: {  	s28 =	sadd.s32 $0x0, s14;
	[sflag:s18] =	ssyncadd.s32 $0xFFFFC000  }
0x36: {  	[tilespmem:s3], [sflag:$0x3] =	stream.linear.gather [hbm4b:s28+s3], $0x80, $0x38;
	[tilespmem:$0x1C200] =	vst v63  }
0x37: {  	_ =	swait.ge [sflag:s18], $0x80  }
0x38: {  	[sflag:s18] =	ssyncset.done $0x0  }
0x39: {  	s28 =	sadd.s32 $0x0, s13;
	[sflag:s18] =	ssyncadd.s32 $0xFFFFFF80  }
0x3a: {  	[tilespmem:s19], [sflag:$0x3] =	stream.linear.gather [hbm4b:s28+s3], $0x80, $0x38;
	[tilespmem:$0x1C200] =	vst v63  }
0x3b: {  	_ =	swait.ge [sflag:s18], $0x80  }
0x3c: {  	[sflag:s18] =	ssyncset.done $0x0  }
0x3d: {  	[sflag:s18] =	ssyncadd.s32 $0xFFFFFF80  }
0x3e: {  	[tilespmem:s20], [sflag:$0x1] =	stream.indirect.gather [hbm4b:s4+s19], $0x80, s3, s19, $0xb8;
	[tilespmem:$0x1C200] =	vst v63  }
0x3f: {  	_ =	swait.ge [sflag:s25], $0x4000  }
0x40: {  	[sflag:s25] =	ssyncset.done $0x0  }
0x41: {  	[sflag:s25] =	ssyncadd.s32 $0xFFFFC000  }
0x42: {  	[spmem:s2] =	stream.indirect.scatter.add.f32 [tilespmem:s23], [sflag:$0x3], $0x80, s22, s19, $0xb8;
	[tilespmem:$0x1C200] =	vst v63  }
0x43: {  	_ =	swait.ge [sflag:s18], $0x4000  }
0x44: {  	s30 =	simm.s32 $0x40;
	s28 =	simm.s32 $0x20;
	[sflag:s18] =	ssyncset.done $0x0  }
.LBB2_2:
0x45: {  	s31 =	sadd.s32 s28, s16  }
0x46: {  	[sflag:s18] =	ssyncadd.s32 $0xFFFFC000;
	s0 =	smov.u32 s30;
	s29 =	sadd.s32 $0x20, s30  }
0x47: {  	[tilespmem:s21], [sflag:$0x3] =	stream.linear.gather [hbm4b:s31+s3], $0x80, $0x38;
	[tilespmem:$0x1C200] =	vst v63  }
0x48: {  	p0 =	sne.s32 s30, $0x4C0;
	_ =	swait.ge [sflag:s18], $0x80  }
0x49: {  	[sflag:s18] =	ssyncset.done $0x0  }
0x4a: {  	s30 =	sadd.s32 s28, s15;
	[sflag:s18] =	ssyncadd.s32 $0xFFFFFF80  }
0x4b: {  	[tilespmem:s22], [sflag:$0x3] =	stream.linear.gather [hbm4b:s30+s3], $0x80, $0x38;
	[tilespmem:$0x1C200] =	vst v63  }
0x4c: {  	_ =	swait.ge [sflag:s18], $0x80  }
0x4d: {  	[sflag:s18] =	ssyncset.done $0x0  }
0x4e: {  	[sflag:s18] =	ssyncadd.s32 $0xFFFFFF80  }
0x4f: {  	[tilespmem:s23], [sflag:$0x2] =	stream.indirect.gather [hbm4b:s4+s19], $0x80, s21, s19, $0xb8;
	[tilespmem:$0x1C200] =	vst v63  }
0x50: {  	_ =	swait.ge [sflag:s24], $0x4000  }
0x51: {  	[sflag:s24] =	ssyncset.done $0x0  }
0x52: {  	[sflag:s24] =	ssyncadd.s32 $0xFFFFC000  }
0x53: {  	[spmem:s2] =	stream.indirect.scatter.add.f32 [tilespmem:s20], [sflag:$0x3], $0x80, s19, s19, $0xb8;
	[tilespmem:$0x1C200] =	vst v63  }
0x54: {  	_ =	swait.ge [sflag:s18], $0x4000  }
0x55: {  	[sflag:s18] =	ssyncset.done $0x0  }
0x56: {  	s30 =	sadd.s32 s28, s14;
	[sflag:s18] =	ssyncadd.s32 $0xFFFFC000  }
0x57: {  	[tilespmem:s3], [sflag:$0x3] =	stream.linear.gather [hbm4b:s30+s3], $0x80, $0x38;
	[tilespmem:$0x1C200] =	vst v63  }
0x58: {  	_ =	swait.ge [sflag:s18], $0x80  }
0x59: {  	[sflag:s18] =	ssyncset.done $0x0  }
0x5a: {  	s30 =	sadd.s32 s28, s13;
	s28 =	smov.u32 s0;
	[sflag:s18] =	ssyncadd.s32 $0xFFFFFF80  }
0x5b: {  	[tilespmem:s19], [sflag:$0x3] =	stream.linear.gather [hbm4b:s30+s3], $0x80, $0x38;
	[tilespmem:$0x1C200] =	vst v63  }
0x5c: {  	_ =	swait.ge [sflag:s18], $0x80  }
0x5d: {  	[sflag:s18] =	ssyncset.done $0x0  }
0x5e: {  	[sflag:s18] =	ssyncadd.s32 $0xFFFFFF80  }
0x5f: {  	[tilespmem:s20], [sflag:$0x1] =	stream.indirect.gather [hbm4b:s4+s19], $0x80, s3, s19, $0xb8;
	[tilespmem:$0x1C200] =	vst v63  }
0x60: {  	_ =	swait.ge [sflag:s25], $0x4000  }
.Ltmp0:
0x61: {  	[sflag:s25] =	ssyncset.done $0x0;
	(pc) =	sbr.rel @p0 .LBB2_2-.Ltmp0, $4  }
0x62: {  	[sflag:s25] =	ssyncadd.s32 $0xFFFFC000  }
0x63: {  	[spmem:s2] =	stream.indirect.scatter.add.f32 [tilespmem:s23], [sflag:$0x3], $0x80, s22, s19, $0xb8;
	[tilespmem:$0x1C200] =	vst v63  }
0x64: {  	_ =	swait.ge [sflag:s18], $0x4000  }
0x65: {  	s30 =	smov.u32 s29;
	[sflag:s18] =	ssyncset.done $0x0  }
0x66: {  	s0 =	sadd.s32 s28, s16;
	[sflag:s18] =	ssyncadd.s32 $0xFFFFC000  }
0x67: {  	[tilespmem:s21], [sflag:$0x3] =	stream.linear.gather [hbm4b:s0+s3], $0x80, $0x38;
	[tilespmem:$0x1C200] =	vst v63  }
0x68: {  	_ =	swait.ge [sflag:s18], $0x80  }
0x69: {  	[sflag:s18] =	ssyncset.done $0x0  }
0x6a: {  	s29 =	sadd.s32 s28, s15;
	[sflag:s18] =	ssyncadd.s32 $0xFFFFFF80  }
0x6b: {  	[tilespmem:s22], [sflag:$0x3] =	stream.linear.gather [hbm4b:s29+s3], $0x80, $0x38;
	[tilespmem:$0x1C200] =	vst v63  }
0x6c: {  	_ =	swait.ge [sflag:s18], $0x80  }
0x6d: {  	[sflag:s18] =	ssyncset.done $0x0  }
0x6e: {  	[sflag:s18] =	ssyncadd.s32 $0xFFFFFF80  }
0x6f: {  	[tilespmem:s23], [sflag:$0x2] =	stream.indirect.gather [hbm4b:s4+s19], $0x80, s21, s19, $0xb8;
	[tilespmem:$0x1C200] =	vst v63  }
0x70: {  	_ =	swait.ge [sflag:s24], $0x4000  }
0x71: {  	[sflag:s24] =	ssyncset.done $0x0  }
0x72: {  	[sflag:s24] =	ssyncadd.s32 $0xFFFFC000  }
0x73: {  	[spmem:s2] =	stream.indirect.scatter.add.f32 [tilespmem:s20], [sflag:$0x3], $0x80, s19, s19, $0xb8;
	[tilespmem:$0x1C200] =	vst v63  }
0x74: {  	_ =	swait.ge [sflag:s18], $0x4000  }
0x75: {  	[sflag:s18] =	ssyncset.done $0x0  }
0x76: {  	s30 =	sadd.s32 s28, s14;
	[sflag:s18] =	ssyncadd.s32 $0xFFFFC000  }
0x77: {  	[tilespmem:s3], [sflag:$0x3] =	stream.linear.gather [hbm4b:s30+s3], $0x80, $0x38;
	[tilespmem:$0x1C200] =	vst v63  }
0x78: {  	_ =	swait.ge [sflag:s18], $0x80  }
0x79: {  	[sflag:s18] =	ssyncset.done $0x0  }
0x7a: {  	s31 =	sadd.s32 s28, s13;
	[sflag:s18] =	ssyncadd.s32 $0xFFFFFF80  }
0x7b: {  	[tilespmem:s19], [sflag:$0x3] =	stream.linear.gather [hbm4b:s31+s3], $0x80, $0x38;
	[tilespmem:$0x1C200] =	vst v63  }
0x7c: {  	_ =	swait.ge [sflag:s18], $0x80  }
0x7d: {  	[sflag:s18] =	ssyncset.done $0x0  }
0x7e: {  	[sflag:s18] =	ssyncadd.s32 $0xFFFFFF80  }
0x7f: {  	[tilespmem:s20], [sflag:$0x1] =	stream.indirect.gather [hbm4b:s4+s19], $0x80, s3, s19, $0xb8;
	[tilespmem:$0x1C200] =	vst v63  }
0x80: {  	_ =	swait.ge [sflag:s25], $0x4000  }
0x81: {  	[sflag:s25] =	ssyncset.done $0x0  }
0x82: {  	[sflag:s25] =	ssyncadd.s32 $0xFFFFC000  }
0x83: {  	[spmem:s2] =	stream.indirect.scatter.add.f32 [tilespmem:s23], [sflag:$0x3], $0x80, s22, s19, $0xb8;
	[tilespmem:$0x1C200] =	vst v63  }
0x84: {  	_ =	swait.ge [sflag:s18], $0x4000  }
0x85: {  	[sflag:s18] =	ssyncset.done $0x0  }
0x86: {  	[sflag:s18] =	ssyncadd.s32 $0xFFFFC000  }
0x87: {  	[tilespmem:s21], [sflag:$0x3] =	stream.linear.gather [hbm4b:s11+s3], $0x80, $0x38;
	[tilespmem:$0x1C200] =	vst v63  }
0x88: {  	_ =	swait.ge [sflag:s18], $0x80  }
0x89: {  	[sflag:s18] =	ssyncset.done $0x0  }
0x8a: {  	[sflag:s18] =	ssyncadd.s32 $0xFFFFFF80  }
0x8b: {  	[tilespmem:s22], [sflag:$0x3] =	stream.linear.gather [hbm4b:s12+s3], $0x80, $0x38;
	[tilespmem:$0x1C200] =	vst v63  }
0x8c: {  	_ =	swait.ge [sflag:s18], $0x80  }
0x8d: {  	[sflag:s18] =	ssyncset.done $0x0  }
0x8e: {  	[sflag:s18] =	ssyncadd.s32 $0xFFFFFF80  }
0x8f: {  	[tilespmem:s23], [sflag:$0x2] =	stream.indirect.gather [hbm4b:s4+s19], $0x80, s21, s19, $0xb8;
	[tilespmem:$0x1C200] =	vst v63  }
0x90: {  	_ =	swait.ge [sflag:s24], $0x4000  }
0x91: {  	[sflag:s24] =	ssyncset.done $0x0  }
0x92: {  	[sflag:s24] =	ssyncadd.s32 $0xFFFFC000  }
0x93: {  	[spmem:s2] =	stream.indirect.scatter.add.f32 [tilespmem:s20], [sflag:$0x3], $0x80, s19, s19, $0xb8;
	[tilespmem:$0x1C200] =	vst v63  }
0x94: {  	_ =	swait.ge [sflag:s18], $0x4000  }
0x95: {  	[sflag:s18] =	ssyncset.done $0x0  }
0x96: {  	[sflag:s18] =	ssyncadd.s32 $0xFFFFC000  }
0x97: {  	_ =	swait.ge [sflag:s25], $0x4000  }
0x98: {  	[sflag:s25] =	ssyncset.done $0x0  }
0x99: {  	[sflag:s25] =	ssyncadd.s32 $0xFFFFC000  }
0x9a: {  	[spmem:s2] =	stream.indirect.scatter.add.f32 [tilespmem:s23], [sflag:$0x3], $0x80, s22, s19, $0xb8;
	[tilespmem:$0x1C200] =	vst v63  }
0x9b: {  	_ =	swait.ge [sflag:s18], $0x4000  }
0x9c: {  	s26 =	sadd.s32 $0x1, s26;
	[sflag:s18] =	ssyncset.done $0x0  }
0x9d: {  	p0 =	sne.s32 s26, s10;
	[sflag:s18] =	ssyncadd.s32 $0xFFFFC000  }
.Ltmp1:
0x9e: {  	[bflag:$0x0] =	sbarrier.arrive $0xFFFF;
	(pc) =	sbr.rel @p0 .LBB2_1-.Ltmp1, $4  }
0x9f: {  	[hbm:s9], [sflag:s6] =	dma.local [spmem:s17], $0x2800  }
0xa0: {  	_ =	swait.ge [sflag:s18], $0x2800  }
0xa1: {  	[sflag:s18] =	ssyncset.done $0x0  }
0xa2: {  	[sflag:s18] =	ssyncadd.s32 $0xFFFFD800  }
0xa3: {  	_ =	sfence.sel $0x180000  }
0xa4: {  	[bflag:$0x0] =	sbarrier.arrive $0xFFFF  }
0xa5: {  	_ =	strace $0x9000004D  }
0xa6: {  	[bflag:$0x2] =	sbarrier.arrive $0xFFFF  }
0xa7: {  	p0 =	sne.s32 s1, $0x0;
	s0 =	rddreg [dreg:$0x3]  }
0xa8: {  	s0 =	sadd.s32 @!p0 $0x100000, s0  }
0xa9: {  	[sflag:s0] =	ssyncadd.tile.s32 @!p0 $0x1;
	_ =	shalt  }
.Lfunc_end2:
_tile_overlayer_lowered:
.L_overlay_start_2:
0xaa: {  	(tag) =	ssettag $0x2  }
0xab: {  	s0 =	rddreg [dreg:$0x0];
	s2 =	stileid.u32  }
0xac: {  	s1 =	rddreg [dreg:$0x1];
	p0 =	sne.s32 s2, $0x0  }
0xad: {  	s3 =	rddreg [dreg:$0x2];
	[bflag:$0x3] =	sbarrier.arrive $0xFFFF;
	s2 =	simm.s32 @!p0 $0x1C03  }
0xae: {  	[timem:s3], [sflag:s2] =	dma.local @!p0 [hbm:s0], s1  }
0xaf: {  	s0 =	simm.s32 @!p0 $0x3  }
0xb0: {  	_ =	swait.ge @!p0 [sflag:s0], s1  }
0xb1: {  	s1 =	ssub.s32 @!p0 $0x0, s1;
	[sflag:s0] =	ssyncset.done @!p0 $0x0  }
0xb2: {  	[sflag:s0] =	ssyncadd.s32 @!p0 s1  }
0xb3: {  	[bflag:$0x3] =	sbarrier.arrive $0xFFFF  }
0xb4: {  	_ =	shalt  }

// kernel: kernel.9.cloned.1.call-start
scs
__scs_entry_jumppad:
0x0: {  	(pc) =	sbr.rel $0x88, $3  }
0x1: {  	(tag) =	ssettag $0x0;
	lr =	simm.s32 $0x1  }
0x2: {  	[smem:$0x3F8E] =	sst lr;
	_ =	strace $0xD0000000  }
0x3: {  	_ = 	snop  }
0x4: {  	_ = 	snop  }
0x5: {  	_ = 	snop  }
0x6: {  	_ = 	snop  }
0x7: {  	_ = 	snop  }
__scs_overlays_trampoline_lowered:
0x8: {  	[smem:$0x3F9D] =	sst s0  }
0x9: {  	[smem:$0x3F9E] =	sst s1  }
0xa: {  	[smem:$0x3F9F] =	sst s2  }
0xb: {  	[smem:$0x3FA0] =	sst s3  }
0xc: {  	[smem:$0x3FA1] =	sst s4  }
0xd: {  	[smem:$0x3FA2] =	sst s5  }
0xe: {  	[smem:$0x3FA3] =	sst s6  }
0xf: {  	[smem:$0x3FA4] =	sst s7  }
0x10: {  	[smem:$0x3FA5] =	sst s8  }
0x11: {  	[smem:$0x3FA6] =	sst s9;
	s0 =	simm.s32 @!p0 $0x0  }
0x12: {  	s1 =	sld [smem:$0x3F8C];
	s0 =	simm.s32 @p0 $0x1  }
0x13: {  	[smem:$0x3FA7] =	sst s0;
	s0 =	simm.s32 @!p1 $0x0  }
0x14: {  	s2 =	sld [smem:$0x3F8B];
	s0 =	simm.s32 @p1 $0x1  }
0x15: {  	[smem:$0x3FA8] =	sst s0;
	s0 =	simm.s32 @!p2 $0x0  }
0x16: {  	s3 =	sld [smem:$0x3FDB];
	s0 =	simm.s32 @p2 $0x1  }
0x17: {  	s4 =	simm.s32 $0x1BF5;
	[smem:$0x3FAA] =	sst s0  }
0x18: {  	s0 =	sld [smem:$0x3F8D];
	_ =	swait.ge [sflag:s4], $0x0  }
0x19: {  	s7 =	sld [smem:$0x3F8E]  }
0x1a: {  	s8 =	sadd.s32 $0xFFFFE003, lr  }
0x1b: {  	s9 =	sadd.s32 $0xFFFFFEF7, lr;
	s5 =	simm.s32 $0xFFFFFFFF;
	p2 =	slt.u32 s8, $0xFFFFF086  }
0x1c: {  	p1 =	slt.u32 s9, $0xF7A;
	s5 =	simm.s32 @!p2 $0x0  }
0x1d: {  	s5 =	simm.s32 @p1 $0x1;
	p0 =	seq.s32 s7, s2  }
0x1e: {  	s7 =	smul.u32 @!p0 $0xF7A, s2;
	p2 =	seq.s32 @!p0 s5, $0x0  }
0x1f: {  	s9 =	smul.u32 $0xF7A, s1;
	s8 =	simm.s32 @!p0 $0x1BF5;
	p2 =	por !p2, p0  }
0x20: {  	[sflag:s8] =	ssyncset.s32 @!p0 $0xFFFFF086;
	s6 =	sadd.s32 @!p0 s3, s7;
	s7 =	simm.s32 @!p0 $0x108  }
0x21: {  	s3 =	sadd.s32 s3, s9;
	s6 =	sadd.s32 @!p0 $0x88, s6;
	s7 =	simm.s32 @p2 $0x1082  }
0x22: {  	[simem:s7], [sflag:s8] =	dma.local @!p0 [hbm:s6], $0xF7A  }
0x23: {  	s9 =	sor.u32 $0xD0000000, s2;
	s6 =	simm.s32 $0x108;
	_ =	swait.ge @!p0 [sflag:s8], $0x0  }
0x24: {  	s3 =	sadd.s32 $0x88, s3;
	s6 =	simm.s32 @!p1 $0x1082;
	[sflag:s4] =	ssyncset.s32 $0xFFFFF086  }
0x25: {  	[simem:s6], [sflag:s4] =	dma.local [hbm:s3], $0xF7A  }
0x26: {  	[smem:$0x3F8E] =	sst s1;
	(tag) =	ssettag s2;
	_ =	strace s9  }
0x27: {  	s1 =	sld [smem:$0x3F9E]  }
0x28: {  	s2 =	sld [smem:$0x3F9F]  }
0x29: {  	s4 =	sld [smem:$0x3FA1]  }
0x2a: {  	p0 =	seq.s32 s5, $0x0;
	s5 =	sld [smem:$0x3FA2]  }
0x2b: {  	s6 =	sld [smem:$0x3FA3]  }
0x2c: {  	s7 =	sld [smem:$0x3FA4]  }
0x2d: {  	s3 =	simm.s32 $0x108;
	s8 =	sld [smem:$0x3FA5]  }
0x2e: {  	s3 =	simm.s32 @!p0 $0x1082;
	s9 =	sld [smem:$0x3FA6]  }
0x2f: {  	lr =	sadd.s32 s0, s3;
	s0 =	sld [smem:$0x3F9D]  }
0x30: {  	s3 =	sld [smem:$0x3FA0]  }
0x31: {  	[smem:$0x3FA9] =	sst s10  }
0x32: {  	s10 =	sld [smem:$0x3FA7];
	_ =	sdelay $0x3  }
0x33: {  	p0 =	seq.s32 s10, $0x1;
	s10 =	sld [smem:$0x3FA9];
	_ =	sdelay $0x3  }
0x34: {  	[smem:$0x3FA9] =	sst s10  }
0x35: {  	s10 =	sld [smem:$0x3FA8];
	_ =	sdelay $0x3  }
0x36: {  	p1 =	seq.s32 s10, $0x1;
	s10 =	sld [smem:$0x3FA9];
	_ =	sdelay $0x3  }
0x37: {  	[smem:$0x3FA9] =	sst s10  }
0x38: {  	s10 =	sld [smem:$0x3FAA]  }
0x39: {  	_ = 	snop;
	(pc) =	sbr.ind lr, $3  }
0x3a: {  	_ = 	snop  }
0x3b: {  	_ = 	snop  }
0x3c: {  	p2 =	seq.s32 s10, $0x1;
	s10 =	sld [smem:$0x3FA9]  }
0x3d: {  	_ =	shalt  }
0x3e: {  	_ =	shalt  }
0x3f: {  	_ =	shalt  }
0x40: {  	_ =	shalt  }
0x41: {  	_ =	shalt  }
0x42: {  	_ =	shalt  }
0x43: {  	_ =	shalt  }
0x44: {  	_ =	shalt  }
0x45: {  	_ =	shalt  }
0x46: {  	_ =	shalt  }
0x47: {  	_ =	shalt  }
0x48: {  	_ =	shalt  }
0x49: {  	_ =	shalt  }
0x4a: {  	_ =	shalt  }
0x4b: {  	_ =	shalt  }
0x4c: {  	_ =	shalt  }
0x4d: {  	_ =	shalt  }
0x4e: {  	_ =	shalt  }
0x4f: {  	_ =	shalt  }
0x50: {  	_ =	shalt  }
0x51: {  	_ =	shalt  }
0x52: {  	_ =	shalt  }
0x53: {  	_ =	shalt  }
0x54: {  	_ =	shalt  }
0x55: {  	_ =	shalt  }
0x56: {  	_ =	shalt  }
0x57: {  	_ =	shalt  }
0x58: {  	_ =	shalt  }
0x59: {  	_ =	shalt  }
0x5a: {  	_ =	shalt  }
0x5b: {  	_ =	shalt  }
0x5c: {  	_ =	shalt  }
0x5d: {  	_ =	shalt  }
0x5e: {  	_ =	shalt  }
0x5f: {  	_ =	shalt  }
0x60: {  	_ =	shalt  }
0x61: {  	_ =	shalt  }
0x62: {  	_ =	shalt  }
0x63: {  	_ =	shalt  }
0x64: {  	_ =	shalt  }
0x65: {  	_ =	shalt  }
0x66: {  	_ =	shalt  }
0x67: {  	_ =	shalt  }
0x68: {  	_ =	shalt  }
0x69: {  	_ =	shalt  }
0x6a: {  	_ =	shalt  }
0x6b: {  	_ =	shalt  }
0x6c: {  	_ =	shalt  }
0x6d: {  	_ =	shalt  }
0x6e: {  	_ =	shalt  }
0x6f: {  	_ =	shalt  }
0x70: {  	_ =	shalt  }
0x71: {  	_ =	shalt  }
0x72: {  	_ =	shalt  }
0x73: {  	_ =	shalt  }
0x74: {  	_ =	shalt  }
0x75: {  	_ =	shalt  }
0x76: {  	_ =	shalt  }
0x77: {  	_ =	shalt  }
0x78: {  	_ =	shalt  }
0x79: {  	_ =	shalt  }
0x7a: {  	_ =	shalt  }
0x7b: {  	_ =	shalt  }
0x7c: {  	_ =	shalt  }
0x7d: {  	_ =	shalt  }
0x7e: {  	_ =	shalt  }
0x7f: {  	_ =	shalt  }
0x80: {  	_ =	shalt  }
0x81: {  	_ =	shalt  }
0x82: {  	_ =	shalt  }
0x83: {  	_ =	shalt  }
0x84: {  	_ =	shalt  }
0x85: {  	_ =	shalt  }
0x86: {  	_ =	shalt  }
0x87: {  	_ =	shalt  }
.Lfunc_end0:
.L_simem_size_0:
called_computation_lowered:
.L_overlay_start_0:
0x88: {  	s2 =	sld [smem:$0x3FD9]  }
0x89: {  	s3 =	sld [smem:$0x3FFE];
	_ =	sdelay $0x1  }
0x8a: {  	s1 =	srdreg.scid  }
0x8b: {  	s0 =	sand.u32 $0x1, s1  }
0x8c: {  	s17 =	sshll.u32 s0, $0xA;
	s2 =	sadd.s32 s3, s2  }
0x8d: {  	s2 =	sadd.s32 s2, s17  }
0x8e: {  	[smem:$0x3FB5] =	sst s2  }
0x8f: {  	_ = 	snop  }
0x90: {  	s2 =	sld [smem:$0x3FD0];
	(tm) =	ssettm $0x1  }
0x91: {  	s18 =	sld [smem:$0x3FFB];
	_ =	sdelay $0x3  }
0x92: {  	_ =	strace s18  }
0x93: {  	s3 =	sld [smem:$0x3FFC];
	_ =	sdelay $0x3  }
0x94: {  	_ =	strace s3  }
0x95: {  	s3 =	sld [smem:$0x3FFD];
	_ =	sdelay $0x3  }
0x96: {  	_ =	strace s3  }
0x97: {  	_ =	strace $0x8FFFFFFF  }
0x98: {  	s19 =	sld [smem:$0x3FDB];
	_ =	sdelay $0x1  }
0x99: {  	s4 =	simm.s32 $_scs_section_size  }
0x9a: {  	s5 =	simm.s32 $_size__tile_overlayer_lowered;
	s6 =	simm.s32 $_tile_overlayer_lowered  }
0x9b: {  	s22 =	simm.s32 $0x1BFF;
	s21 =	sshll.u32 s6, $0x1;
	s3 =	sadd.s32 s4, s19  }
0x9c: {  	s7 =	simm.s32 $0x0;
	s20 =	sshll.u32 s5, $0x1;
	s5 =	sadd.s32 s21, s3  }
0x9d: {  	[timem:s7], [sflag:s22] =	dma.local [hbm:s5], s20  }
0x9e: {  	_ =	swait.ge [sflag:s22], s20  }
0x9f: {  	s4 =	ssub.s32 $0x0, s20;
	[sflag:s22] =	ssyncset.done $0x0  }
0xa0: {  	[sflag:s22] =	ssyncadd.s32 s4;
	_ =	sdelay $0x1  }
0xa1: {  	s23 =	simm.s32 $0x1B8B  }
0xa2: {  	_ =	swait.ge [sflag:s23], $0x1  }
0xa3: {  	[sflag:s23] =	ssyncset.done $0x0  }
0xa4: {  	s25 =	simm.s32 $0x1B8E;
	s24 =	sld [smem:$0x3FFE];
	[sflag:s23] =	ssyncadd.s32 $0xFFFFFFFF  }
0xa5: {  	s26 =	simm.s32 $execute0_lowered;
	[smem:$0x3FD2] =	sst s25  }
0xa6: {  	s5 =	sshll.u32 s26, $0x1;
	_ =	strace $0x80000046;
	[dreg:$0x1] =	wrdreg $0xFFFFFFFF  }
0xa7: {  	s28 =	simm.s32 $_size_execute0_lowered;
	s3 =	sadd.s32 s3, s5;
	[dreg:$0x0] =	wrdreg $0x0  }
0xa8: {  	s5 =	sshll.u32 s28, $0x1;
	[dreg:$0x2] =	wrdreg s3  }
0xa9: {  	[dreg:$0x3] =	wrdreg s5  }
0xaa: {  	[dreg:$0x4] =	wrdreg $0xC0  }
0xab: {  	_ =	task [dreg:s7], $0x5FFFF  }
0xac: {  	[dreg:$0x1] =	wrdreg $0xFFFFFFFF  }
0xad: {  	[dreg:$0x0] =	wrdreg $0x60  }
0xae: {  	[dreg:$0x2] =	wrdreg s24  }
0xaf: {  	[dreg:$0x3] =	wrdreg s2  }
0xb0: {  	[dreg:$0x4] =	wrdreg $0x82800  }
0xb1: {  	[dreg:$0x5] =	wrdreg $0x1C2800  }
0xb2: {  	[dreg:$0x6] =	wrdreg $0x9  }
0xb3: {  	_ =	task.clear_ibuf [dreg:s7], $0x7FFFF;
	_ =	strace $0x90000046  }
0xb4: {  	s29 =	simm.s32 $0x9;
	_ =	strace $0x80000048  }
0xb5: {  	_ =	swait.ge [sflag:s29], $0x1  }
0xb6: {  	[sflag:s29] =	ssyncadd.s32 $0xFFFFFFFF  }
0xb7: {  	_ =	strace $0x90000048  }
0xb8: {  	_ =	sfence  }
0xb9: {  	s30 =	sld [smem:$0x0];
	_ =	sdelay $0x2  }
0xba: {  	s31 =	sshll.u32 s1, $0xD;
	s1 =	sshrl.u32 s1, $0x2  }
0xbb: {  	s3 =	sand.u32 $0x4000, s31;
	s1 =	sadd.s32 s1, s30  }
0xbc: {  	s0 =	sor.u32 s3, s0;
	s1 =	sshll.u32 s1, $0x11  }
0xbd: {  	s0 =	sor.u32 s1, s0  }
0xbe: {  	s0 =	sadd.s32 $0x8F2B, s0  }
0xbf: {  	[sflag:s0] =	ssyncadd.remote.s32 $0x1  }
0xc0: {  	_ =	sfence.sel $0xFFFF  }
0xc1: {  	[dreg:$0x0] =	wrdreg $0xFFFFFFFF;
	(pc) =	sbr.abs _section_cstart, $3  }
0xc2: {  	[dreg:$0x1] =	wrdreg $0xFFFFFFFF  }
0xc3: {  	_ =	task.clear_ibuf [dreg:s7], $0x2FFFF;
	_ =	strace $0x9FFFFFFF  }
0xc4: {  	(tm) =	ssettm $0x7FFFFFFF  }
0xc5: {  	_ =	shalt  }
tec
execute0_lowered:
.L_overlay_start_1:
0x0: {  	(tag) =	ssettag $0x1  }
0x1: {  	s0 =	rddreg [dreg:$0x0]  }
0x2: {  	s1 =	rddreg [dreg:$0x1]  }
0x3: {  	s2 =	rddreg [dreg:$0x2]  }
0x4: {  	s3 =	rddreg [dreg:$0x3];
	s17 =	stileid.u32  }
0x5: {  	s4 =	simm.s32 $0x0;
	s5 =	srdreg.scid;
	s6 =	smul.u32 $0x14000, s17  }
0x6: {  	s28 =	simm.s32 $0x4200;
	s29 =	simm.s32 $0x1;
	s11 =	smul.u32 $0x280, s17  }
0x7: {  	s30 =	simm.s32 $0x8200;
	s31 =	simm.s32 $0x2;
	s23 =	smul.u32 $0x500, s17  }
0x8: {  	[smem:$0x7FF] =	sst s4;
	s7 =	sand.u32 $0x1, s5;
	s14 =	smul.u32 $0x50000, s17  }
0x9: {  	s5 =	sadd.s32 $0x3E00, s0;
	s9 =	sadd.s32 $0x2BE00, s0;
	s20 =	smul.u32 $0x5000, s17  }
0xa: {  	s15 =	sshll.u32 s17, $0x1;
	_ =	strace $0x80000047;
	s8 =	smul.u32 $0x140000, s7  }
0xb: {  	s13 =	sshll.u32 s7, $0x7;
	s24 =	ssub.s32 $0x2, s7;
	s26 =	sor.u32 s7, s15  }
0xc: {  	s15 =	sshll.u32 s17, $0x6;
	s7 =	smul.u32 $0x2800, s7;
	s10 =	sshrl.u32 s6, $0x3  }
0xd: {  	s12 =	sshrl.u32 s11, $0x3;
	s25 =	sshrl.u32 s24, $0x1;
	s14 =	sshrl.u32 s14, $0x2  }
0xe: {  	s18 =	smul.u32 $0x2800, s26;
	s11 =	sadd.s32 s11, s3;
	s10 =	sadd.s32 s10, s0  }
0xf: {  	s6 =	sadd.s32 s6, s8;
	s12 =	sadd.s32 s12, s0;
	s8 =	sor.u32 s13, s23  }
0x10: {  	s16 =	ssub.s32 s24, s25;
	s13 =	sadd.s32 s14, s2;
	[dreg:$0x7] =	wrdreg s11  }
0x11: {  	s25 =	sadd.s32 s7, s20;
	s6 =	sshrl.u32 s6, $0x3;
	s8 =	sshrl.u32 s8, $0x3  }
0x12: {  	[dreg:$0x5] =	wrdreg s13;
	s19 =	sadd.s32 $0x35E00, s10;
	s21 =	sshrl.u32 s18, $0x3  }
0x13: {  	s22 =	sadd.s32 $0x5DE00, s12;
	s7 =	sor.u32 $0x100, s25;
	s6 =	sadd.s32 s6, s0  }
0x14: {  	s0 =	sadd.s32 s8, s0;
	[dreg:$0x6] =	wrdreg s19;
	s8 =	sor.u32 $0x1C03, s15  }
0x15: {  	[dreg:$0x8] =	wrdreg s22;
	s23 =	sadd.s32 s1, s21;
	s24 =	sadd.s32 s9, s21  }
0x16: {  	s15 =	smax.u32 s16, $0x1;
	s26 =	sadd.s32 $0x4F0, s21;
	[dreg:$0x9] =	wrdreg s23  }
0x17: {  	s7 =	sshrl.u32 s7, $0x3;
	s22 =	simm.s32 $0x3;
	[dreg:$0xa] =	wrdreg s24  }
0x18: {  	s13 =	sadd.s32 $0x5EE00, s6;
	s14 =	sadd.s32 $0x5E400, s0;
	s16 =	sadd.s32 s1, s26  }
0x19: {  	s0 =	sor.u32 $0x80, s25;
	s17 =	sadd.s32 s9, s26;
	s18 =	sadd.s32 s7, s9  }
0x1a: {  	s19 =	sadd.s32 s7, s1;
	s23 =	simm.s32 $0x80;
	s24 =	simm.s32 $0x200  }
0x1b: {  	s25 =	simm.s32 $0x100;
	s26 =	simm.s32 $0x180;
	s0 =	sshrl.u32 s0, $0x3  }
0x1c: {  	v0 =	vimm.f32 $1.000000000e+00;
	s20 =	sadd.s32 s0, s9;
	s21 =	sadd.s32 s0, s1;
	s0 =	simm.s32 $0x0  }
.LBB2_1:
0x1d: {  	s1 =	rddreg [dreg:$0x5]  }
0x1e: {  	s6 =	rddreg [dreg:$0x6];
	s1 =	sshrl.u32 s1, $0x3  }
0x1f: {  	[spmem:s1], [sflag:s8] =	dma.local [hbm:s6], $0x2800  }
0x20: {  	_ =	swait.ge [sflag:s22], $0x2800  }
0x21: {  	[sflag:s22] =	ssyncset.done $0x0  }
0x22: {  	[sflag:s22] =	ssyncadd.s32 $0xFFFFD800  }
0x23: {  	[tilespmem:$0x8200] =	vst v0  }
0x24: {  	[tilespmem:$0x8210] =	vst v0  }
0x25: {  	[tilespmem:$0x8220] =	vst v0  }
0x26: {  	[tilespmem:$0x8230] =	vst v0  }
0x27: {  	[tilespmem:$0x8240] =	vst v0  }
0x28: {  	[tilespmem:$0x8250] =	vst v0  }
0x29: {  	s10 =	rddreg [dreg:$0x7];
	[tilespmem:$0x8260] =	vst v0  }
0x2a: {  	s7 =	rddreg [dreg:$0x8];
	s6 =	sshrl.u32 s10, $0x3;
	[tilespmem:$0x8270] =	vst v0  }
0x2b: {  	[spmem:s6], [sflag:s8] =	dma.local [hbm:s7], $0x50  }
0x2c: {  	_ =	swait.ge [sflag:s22], $0x50  }
0x2d: {  	[sflag:s22] =	ssyncset.done $0x0  }
0x2e: {  	[sflag:s22] =	ssyncadd.s32 $0xFFFFFFB0  }
0x2f: {  	[bflag:$0x0] =	sbarrier.arrive $0xFFFF  }
0x30: {  	s11 =	rddreg [dreg:$0x9]  }
0x31: {  	[tilespmem:s4], [sflag:$0x3] =	stream.linear.gather [hbm4b:s11+s4], $0x80, $0x38;
	[tilespmem:$0x1C500] =	vst v63  }
0x32: {  	_ =	swait.ge [sflag:s22], $0x80  }
0x33: {  	[sflag:s22] =	ssyncset.done $0x0  }
0x34: {  	s12 =	rddreg [dreg:$0xa];
	[sflag:s22] =	ssyncadd.s32 $0xFFFFFF80  }
0x35: {  	[tilespmem:s23], [sflag:$0x3] =	stream.linear.gather [hbm4b:s12+s4], $0x80, $0x38;
	[tilespmem:$0x1C500] =	vst v63  }
0x36: {  	_ =	swait.ge [sflag:s22], $0x80  }
0x37: {  	[sflag:s22] =	ssyncset.done $0x0  }
0x38: {  	[sflag:s22] =	ssyncadd.s32 $0xFFFFFF80  }
0x39: {  	[tilespmem:s24], [sflag:$0x1] =	stream.indirect.gather [hbm4b:s5+s23], $0x80, s4, s23, $0xb8;
	[tilespmem:$0x1C500] =	vst v63  }
0x3a: {  	s9 =	sadd.s32 $0x0, s21  }
0x3b: {  	[tilespmem:s25], [sflag:$0x3] =	stream.linear.gather [hbm4b:s9+s4], $0x80, $0x38;
	[tilespmem:$0x1C500] =	vst v63  }
0x3c: {  	_ =	swait.ge [sflag:s22], $0x80  }
0x3d: {  	[sflag:s22] =	ssyncset.done $0x0  }
0x3e: {  	s10 =	sadd.s32 $0x0, s20;
	[sflag:s22] =	ssyncadd.s32 $0xFFFFFF80  }
0x3f: {  	[tilespmem:s26], [sflag:$0x3] =	stream.linear.gather [hbm4b:s10+s4], $0x80, $0x38;
	[tilespmem:$0x1C500] =	vst v63  }
0x40: {  	_ =	swait.ge [sflag:s22], $0x80  }
0x41: {  	[sflag:s22] =	ssyncset.done $0x0  }
0x42: {  	[sflag:s22] =	ssyncadd.s32 $0xFFFFFF80  }
0x43: {  	[tilespmem:s28], [sflag:$0x2] =	stream.indirect.gather [hbm4b:s5+s23], $0x80, s25, s23, $0xb8;
	[tilespmem:$0x1C500] =	vst v63  }
0x44: {  	_ =	swait.ge [sflag:s29], $0x4000  }
0x45: {  	[sflag:s29] =	ssyncset.done $0x0  }
0x46: {  	[sflag:s29] =	ssyncadd.s32 $0xFFFFC000  }
0x47: {  	[spmem:s2] =	stream.indirect.scatter.add.f32 [tilespmem:s24], [sflag:$0x3], $0x80, s23, s23, $0xb8;
	[tilespmem:$0x1C500] =	vst v63  }
0x48: {  	_ =	swait.ge [sflag:s22], $0x4000  }
0x49: {  	[sflag:s22] =	ssyncset.done $0x0  }
0x4a: {  	[sflag:s22] =	ssyncadd.s32 $0xFFFFC000  }
0x4b: {  	[spmem:s3] =	stream.indirect.scatter.add.f32 [tilespmem:s30], [sflag:$0x3], $0x1, s23, s23, $0xb8;
	[tilespmem:$0x1C500] =	vst v63  }
0x4c: {  	_ =	swait.ge [sflag:s22], $0x80  }
0x4d: {  	[sflag:s22] =	ssyncset.done $0x0  }
0x4e: {  	s11 =	sadd.s32 $0x0, s19;
	[sflag:s22] =	ssyncadd.s32 $0xFFFFFF80  }
0x4f: {  	[tilespmem:s4], [sflag:$0x3] =	stream.linear.gather [hbm4b:s11+s4], $0x80, $0x38;
	[tilespmem:$0x1C500] =	vst v63  }
0x50: {  	_ =	swait.ge [sflag:s22], $0x80  }
0x51: {  	[sflag:s22] =	ssyncset.done $0x0  }
0x52: {  	s12 =	sadd.s32 $0x0, s18;
	[sflag:s22] =	ssyncadd.s32 $0xFFFFFF80  }
0x53: {  	[tilespmem:s23], [sflag:$0x3] =	stream.linear.gather [hbm4b:s12+s4], $0x80, $0x38;
	[tilespmem:$0x1C500] =	vst v63  }
0x54: {  	_ =	swait.ge [sflag:s22], $0x80  }
0x55: {  	[sflag:s22] =	ssyncset.done $0x0  }
0x56: {  	[sflag:s22] =	ssyncadd.s32 $0xFFFFFF80  }
0x57: {  	[tilespmem:s24], [sflag:$0x1] =	stream.indirect.gather [hbm4b:s5+s23], $0x80, s4, s23, $0xb8;
	[tilespmem:$0x1C500] =	vst v63  }
0x58: {  	_ =	swait.ge [sflag:s31], $0x4000  }
0x59: {  	[sflag:s31] =	ssyncset.done $0x0  }
0x5a: {  	[sflag:s31] =	ssyncadd.s32 $0xFFFFC000  }
0x5b: {  	[spmem:s2] =	stream.indirect.scatter.add.f32 [tilespmem:s28], [sflag:$0x3], $0x80, s26, s23, $0xb8;
	[tilespmem:$0x1C500] =	vst v63  }
0x5c: {  	_ =	swait.ge [sflag:s22], $0x4000  }
0x5d: {  	[sflag:s22] =	ssyncset.done $0x0  }
0x5e: {  	[sflag:s22] =	ssyncadd.s32 $0xFFFFC000  }
0x5f: {  	[spmem:s3] =	stream.indirect.scatter.add.f32 [tilespmem:s30], [sflag:$0x3], $0x1, s26, s23, $0xb8;
	[tilespmem:$0x1C500] =	vst v63  }
0x60: {  	_ =	swait.ge [sflag:s22], $0x80  }
0x61: {  	s7 =	simm.s32 $0x20;
	s9 =	simm.s32 $0x40;
	[sflag:s22] =	ssyncset.done $0x0  }
.LBB2_2:
0x62: {  	s11 =	sadd.s32 s7, s21  }
0x63: {  	[sflag:s22] =	ssyncadd.s32 $0xFFFFFF80;
	s12 =	smov.u32 s9;
	s10 =	sadd.s32 $0x20, s9  }
0x64: {  	[tilespmem:s25], [sflag:$0x3] =	stream.linear.gather [hbm4b:s11+s4], $0x80, $0x38;
	[tilespmem:$0x1C500] =	vst v63  }
0x65: {  	p0 =	sne.s32 s9, $0x4C0;
	_ =	swait.ge [sflag:s22], $0x80  }
0x66: {  	[sflag:s22] =	ssyncset.done $0x0  }
0x67: {  	s9 =	sadd.s32 s7, s20;
	[sflag:s22] =	ssyncadd.s32 $0xFFFFFF80  }
0x68: {  	[tilespmem:s26], [sflag:$0x3] =	stream.linear.gather [hbm4b:s9+s4], $0x80, $0x38;
	[tilespmem:$0x1C500] =	vst v63  }
0x69: {  	_ =	swait.ge [sflag:s22], $0x80  }
0x6a: {  	[sflag:s22] =	ssyncset.done $0x0  }
0x6b: {  	[sflag:s22] =	ssyncadd.s32 $0xFFFFFF80  }
0x6c: {  	[tilespmem:s28], [sflag:$0x2] =	stream.indirect.gather [hbm4b:s5+s23], $0x80, s25, s23, $0xb8;
	[tilespmem:$0x1C500] =	vst v63  }
0x6d: {  	_ =	swait.ge [sflag:s29], $0x4000  }
0x6e: {  	[sflag:s29] =	ssyncset.done $0x0  }
0x6f: {  	[sflag:s29] =	ssyncadd.s32 $0xFFFFC000  }
0x70: {  	[spmem:s2] =	stream.indirect.scatter.add.f32 [tilespmem:s24], [sflag:$0x3], $0x80, s23, s23, $0xb8;
	[tilespmem:$0x1C500] =	vst v63  }
0x71: {  	_ =	swait.ge [sflag:s22], $0x4000  }
0x72: {  	[sflag:s22] =	ssyncset.done $0x0  }
0x73: {  	[sflag:s22] =	ssyncadd.s32 $0xFFFFC000  }
0x74: {  	[spmem:s3] =	stream.indirect.scatter.add.f32 [tilespmem:s30], [sflag:$0x3], $0x1, s23, s23, $0xb8;
	[tilespmem:$0x1C500] =	vst v63  }
0x75: {  	_ =	swait.ge [sflag:s22], $0x80  }
0x76: {  	[sflag:s22] =	ssyncset.done $0x0  }
0x77: {  	s9 =	sadd.s32 s7, s19;
	[sflag:s22] =	ssyncadd.s32 $0xFFFFFF80  }
0x78: {  	[tilespmem:s4], [sflag:$0x3] =	stream.linear.gather [hbm4b:s9+s4], $0x80, $0x38;
	[tilespmem:$0x1C500] =	vst v63  }
0x79: {  	_ =	swait.ge [sflag:s22], $0x80  }
0x7a: {  	[sflag:s22] =	ssyncset.done $0x0  }
0x7b: {  	s9 =	sadd.s32 s7, s18;
	s7 =	smov.u32 s12;
	[sflag:s22] =	ssyncadd.s32 $0xFFFFFF80  }
0x7c: {  	[tilespmem:s23], [sflag:$0x3] =	stream.linear.gather [hbm4b:s9+s4], $0x80, $0x38;
	[tilespmem:$0x1C500] =	vst v63  }
0x7d: {  	_ =	swait.ge [sflag:s22], $0x80  }
0x7e: {  	[sflag:s22] =	ssyncset.done $0x0  }
0x7f: {  	[sflag:s22] =	ssyncadd.s32 $0xFFFFFF80  }
0x80: {  	[tilespmem:s24], [sflag:$0x1] =	stream.indirect.gather [hbm4b:s5+s23], $0x80, s4, s23, $0xb8;
	[tilespmem:$0x1C500] =	vst v63  }
0x81: {  	_ =	swait.ge [sflag:s31], $0x4000  }
0x82: {  	[sflag:s31] =	ssyncset.done $0x0  }
0x83: {  	[sflag:s31] =	ssyncadd.s32 $0xFFFFC000  }
0x84: {  	[spmem:s2] =	stream.indirect.scatter.add.f32 [tilespmem:s28], [sflag:$0x3], $0x80, s26, s23, $0xb8;
	[tilespmem:$0x1C500] =	vst v63  }
0x85: {  	_ =	swait.ge [sflag:s22], $0x4000  }
.Ltmp0:
0x86: {  	[sflag:s22] =	ssyncset.done $0x0;
	(pc) =	sbr.rel @p0 .LBB2_2-.Ltmp0, $4  }
0x87: {  	[sflag:s22] =	ssyncadd.s32 $0xFFFFC000  }
0x88: {  	[spmem:s3] =	stream.indirect.scatter.add.f32 [tilespmem:s30], [sflag:$0x3], $0x1, s26, s23, $0xb8;
	[tilespmem:$0x1C500] =	vst v63  }
0x89: {  	_ =	swait.ge [sflag:s22], $0x80  }
0x8a: {  	s9 =	smov.u32 s10;
	[sflag:s22] =	ssyncset.done $0x0  }
0x8b: {  	s9 =	sadd.s32 s7, s21;
	[sflag:s22] =	ssyncadd.s32 $0xFFFFFF80  }
0x8c: {  	[tilespmem:s25], [sflag:$0x3] =	stream.linear.gather [hbm4b:s9+s4], $0x80, $0x38;
	[tilespmem:$0x1C500] =	vst v63  }
0x8d: {  	_ =	swait.ge [sflag:s22], $0x80  }
0x8e: {  	[sflag:s22] =	ssyncset.done $0x0  }
0x8f: {  	s11 =	sadd.s32 s7, s20;
	[sflag:s22] =	ssyncadd.s32 $0xFFFFFF80  }
0x90: {  	[tilespmem:s26], [sflag:$0x3] =	stream.linear.gather [hbm4b:s11+s4], $0x80, $0x38;
	[tilespmem:$0x1C500] =	vst v63  }
0x91: {  	_ =	swait.ge [sflag:s22], $0x80  }
0x92: {  	[sflag:s22] =	ssyncset.done $0x0  }
0x93: {  	[sflag:s22] =	ssyncadd.s32 $0xFFFFFF80  }
0x94: {  	[tilespmem:s28], [sflag:$0x2] =	stream.indirect.gather [hbm4b:s5+s23], $0x80, s25, s23, $0xb8;
	[tilespmem:$0x1C500] =	vst v63  }
0x95: {  	_ =	swait.ge [sflag:s29], $0x4000  }
0x96: {  	[sflag:s29] =	ssyncset.done $0x0  }
0x97: {  	[sflag:s29] =	ssyncadd.s32 $0xFFFFC000  }
0x98: {  	[spmem:s2] =	stream.indirect.scatter.add.f32 [tilespmem:s24], [sflag:$0x3], $0x80, s23, s23, $0xb8;
	[tilespmem:$0x1C500] =	vst v63  }
0x99: {  	_ =	swait.ge [sflag:s22], $0x4000  }
0x9a: {  	[sflag:s22] =	ssyncset.done $0x0  }
0x9b: {  	[sflag:s22] =	ssyncadd.s32 $0xFFFFC000  }
0x9c: {  	[spmem:s3] =	stream.indirect.scatter.add.f32 [tilespmem:s30], [sflag:$0x3], $0x1, s23, s23, $0xb8;
	[tilespmem:$0x1C500] =	vst v63  }
0x9d: {  	_ =	swait.ge [sflag:s22], $0x80  }
0x9e: {  	[sflag:s22] =	ssyncset.done $0x0  }
0x9f: {  	s12 =	sadd.s32 s7, s19;
	[sflag:s22] =	ssyncadd.s32 $0xFFFFFF80  }
0xa0: {  	[tilespmem:s4], [sflag:$0x3] =	stream.linear.gather [hbm4b:s12+s4], $0x80, $0x38;
	[tilespmem:$0x1C500] =	vst v63  }
0xa1: {  	_ =	swait.ge [sflag:s22], $0x80  }
0xa2: {  	[sflag:s22] =	ssyncset.done $0x0  }
0xa3: {  	s10 =	sadd.s32 s7, s18;
	[sflag:s22] =	ssyncadd.s32 $0xFFFFFF80  }
0xa4: {  	[tilespmem:s23], [sflag:$0x3] =	stream.linear.gather [hbm4b:s10+s4], $0x80, $0x38;
	[tilespmem:$0x1C500] =	vst v63  }
0xa5: {  	_ =	swait.ge [sflag:s22], $0x80  }
0xa6: {  	[sflag:s22] =	ssyncset.done $0x0  }
0xa7: {  	[sflag:s22] =	ssyncadd.s32 $0xFFFFFF80  }
0xa8: {  	[tilespmem:s24], [sflag:$0x1] =	stream.indirect.gather [hbm4b:s5+s23], $0x80, s4, s23, $0xb8;
	[tilespmem:$0x1C500] =	vst v63  }
0xa9: {  	_ =	swait.ge [sflag:s31], $0x4000  }
0xaa: {  	[sflag:s31] =	ssyncset.done $0x0  }
0xab: {  	[sflag:s31] =	ssyncadd.s32 $0xFFFFC000  }
0xac: {  	[spmem:s2] =	stream.indirect.scatter.add.f32 [tilespmem:s28], [sflag:$0x3], $0x80, s26, s23, $0xb8;
	[tilespmem:$0x1C500] =	vst v63  }
0xad: {  	_ =	swait.ge [sflag:s22], $0x4000  }
0xae: {  	[sflag:s22] =	ssyncset.done $0x0  }
0xaf: {  	[sflag:s22] =	ssyncadd.s32 $0xFFFFC000  }
0xb0: {  	[spmem:s3] =	stream.indirect.scatter.add.f32 [tilespmem:s30], [sflag:$0x3], $0x1, s26, s23, $0xb8;
	[tilespmem:$0x1C500] =	vst v63  }
0xb1: {  	_ =	swait.ge [sflag:s22], $0x80  }
0xb2: {  	[sflag:s22] =	ssyncset.done $0x0  }
0xb3: {  	[sflag:s22] =	ssyncadd.s32 $0xFFFFFF80  }
0xb4: {  	[tilespmem:s25], [sflag:$0x3] =	stream.linear.gather [hbm4b:s16+s4], $0x80, $0x38;
	[tilespmem:$0x1C500] =	vst v63  }
0xb5: {  	_ =	swait.ge [sflag:s22], $0x80  }
0xb6: {  	[sflag:s22] =	ssyncset.done $0x0  }
0xb7: {  	[sflag:s22] =	ssyncadd.s32 $0xFFFFFF80  }
0xb8: {  	[tilespmem:s26], [sflag:$0x3] =	stream.linear.gather [hbm4b:s17+s4], $0x80, $0x38;
	[tilespmem:$0x1C500] =	vst v63  }
0xb9: {  	_ =	swait.ge [sflag:s22], $0x80  }
0xba: {  	[sflag:s22] =	ssyncset.done $0x0  }
0xbb: {  	[sflag:s22] =	ssyncadd.s32 $0xFFFFFF80  }
0xbc: {  	[tilespmem:s28], [sflag:$0x2] =	stream.indirect.gather [hbm4b:s5+s23], $0x80, s25, s23, $0xb8;
	[tilespmem:$0x1C500] =	vst v63  }
0xbd: {  	_ =	swait.ge [sflag:s29], $0x4000  }
0xbe: {  	[sflag:s29] =	ssyncset.done $0x0  }
0xbf: {  	[sflag:s29] =	ssyncadd.s32 $0xFFFFC000  }
0xc0: {  	[spmem:s2] =	stream.indirect.scatter.add.f32 [tilespmem:s24], [sflag:$0x3], $0x80, s23, s23, $0xb8;
	[tilespmem:$0x1C500] =	vst v63  }
0xc1: {  	_ =	swait.ge [sflag:s22], $0x4000  }
0xc2: {  	[sflag:s22] =	ssyncset.done $0x0  }
0xc3: {  	[sflag:s22] =	ssyncadd.s32 $0xFFFFC000  }
0xc4: {  	[spmem:s3] =	stream.indirect.scatter.add.f32 [tilespmem:s30], [sflag:$0x3], $0x1, s23, s23, $0xb8;
	[tilespmem:$0x1C500] =	vst v63  }
0xc5: {  	_ =	swait.ge [sflag:s22], $0x80  }
0xc6: {  	[sflag:s22] =	ssyncset.done $0x0  }
0xc7: {  	[sflag:s22] =	ssyncadd.s32 $0xFFFFFF80  }
0xc8: {  	_ =	swait.ge [sflag:s31], $0x4000  }
0xc9: {  	[sflag:s31] =	ssyncset.done $0x0  }
0xca: {  	[sflag:s31] =	ssyncadd.s32 $0xFFFFC000  }
0xcb: {  	[spmem:s2] =	stream.indirect.scatter.add.f32 [tilespmem:s28], [sflag:$0x3], $0x80, s26, s23, $0xb8;
	[tilespmem:$0x1C500] =	vst v63  }
0xcc: {  	_ =	swait.ge [sflag:s22], $0x4000  }
0xcd: {  	[sflag:s22] =	ssyncset.done $0x0  }
0xce: {  	[sflag:s22] =	ssyncadd.s32 $0xFFFFC000  }
0xcf: {  	[spmem:s3] =	stream.indirect.scatter.add.f32 [tilespmem:s30], [sflag:$0x3], $0x1, s26, s23, $0xb8;
	[tilespmem:$0x1C500] =	vst v63  }
0xd0: {  	_ =	swait.ge [sflag:s22], $0x80  }
0xd1: {  	[sflag:s22] =	ssyncset.done $0x0  }
0xd2: {  	[sflag:s22] =	ssyncadd.s32 $0xFFFFFF80  }
0xd3: {  	[bflag:$0x0] =	sbarrier.arrive $0xFFFF  }
0xd4: {  	[hbm:s13], [sflag:s8] =	dma.local [spmem:s1], $0x2800  }
0xd5: {  	s0 =	sadd.s32 $0x1, s0;
	_ =	swait.ge [sflag:s22], $0x2800  }
0xd6: {  	p0 =	sne.s32 s0, s15;
	s11 =	simm.s32 $0x20;
	[sflag:s22] =	ssyncset.done $0x0  }
.Ltmp1:
0xd7: {  	s12 =	simm.s32 $0x10;
	[sflag:s22] =	ssyncadd.s32 $0xFFFFD800;
	(pc) =	sbr.rel @p0 .LBB2_1-.Ltmp1, $4  }
0xd8: {  	[hbm:s14@s11], [sflag:s8] =	dma.strided [spmem:s6@s12], $0x50, s29, $0x10   }
0xd9: {  	_ =	swait.ge [sflag:s22], $0x50  }
0xda: {  	[sflag:s22] =	ssyncset.done $0x0  }
0xdb: {  	[sflag:s22] =	ssyncadd.s32 $0xFFFFFFB0  }
0xdc: {  	_ =	sfence.sel $0x180000  }
0xdd: {  	[bflag:$0x0] =	sbarrier.arrive $0xFFFF  }
0xde: {  	_ =	strace $0x90000047  }
0xdf: {  	s0 =	stileid.u32;
	[bflag:$0x2] =	sbarrier.arrive $0xFFFF  }
0xe0: {  	p0 =	sne.s32 s0, $0x0;
	s0 =	rddreg [dreg:$0x4]  }
0xe1: {  	s0 =	sadd.s32 @!p0 $0x100000, s0  }
0xe2: {  	[sflag:s0] =	ssyncadd.tile.s32 @!p0 $0x1;
	_ =	shalt  }
.Lfunc_end2:
_tile_overlayer_lowered:
.L_overlay_start_2:
0xe3: {  	(tag) =	ssettag $0x2  }
0xe4: {  	s0 =	rddreg [dreg:$0x0];
	s2 =	stileid.u32  }
0xe5: {  	s1 =	rddreg [dreg:$0x1];
	p0 =	sne.s32 s2, $0x0  }
0xe6: {  	s3 =	rddreg [dreg:$0x2];
	[bflag:$0x3] =	sbarrier.arrive $0xFFFF;
	s2 =	simm.s32 @!p0 $0x1C03  }
0xe7: {  	[timem:s3], [sflag:s2] =	dma.local @!p0 [hbm:s0], s1  }
0xe8: {  	s0 =	simm.s32 @!p0 $0x3  }
0xe9: {  	_ =	swait.ge @!p0 [sflag:s0], s1  }
0xea: {  	s1 =	ssub.s32 @!p0 $0x0, s1;
	[sflag:s0] =	ssyncset.done @!p0 $0x0  }
0xeb: {  	[sflag:s0] =	ssyncadd.s32 @!p0 s1  }
0xec: {  	[bflag:$0x3] =	sbarrier.arrive $0xFFFF  }
0xed: {  	_ =	shalt  }

</sc_bundles>
